<compile_context>
chip_gen: v7x
topology: tpu7x:2x2x1
jax: 0.10.2.dev20260603
libtpu: 0.0.44.dev20260713+nightly
codegen_flags: <defaults>
</compile_context>

<pallas_src>
import functools

import jax
import jax.numpy as jnp
from jax import lax
from jax.experimental import pallas as pl
from jax.experimental.pallas import tpu as pltpu
from jax.experimental.pallas import tpu_sc as plsc

N_NODES = 100000
NNZ = 1600000
D = 128

NCHUNKS = 8
CHUNK = 12544
TILE_STRIPE = CHUNK // 16
LAST_ROWS = N_NODES - (NCHUNKS - 1) * CHUNK
LAST_STRIPE = 768
LAST_TAIL = LAST_ROWS - 15 * LAST_STRIPE
ZROWS = 112
PER_TILE = NNZ // 16
SCAN_BLK = 2000
NBLK = PER_TILE // SCAN_BLK
NGRP = SCAN_BLK // 16
STAGE = 128
FLUSH_AT = 112


def _spmm_sc(rows, cols, vals, E):
    mesh = plsc.VectorSubcoreMesh(core_axis_name="c", subcore_axis_name="s")

    @functools.partial(
        pl.kernel,
        out_type=jax.ShapeDtypeStruct((N_NODES, D), jnp.float32),
        mesh=mesh,
        scratch_types=[
            pltpu.VMEM_SHARED((CHUNK, D), jnp.float32),
            pltpu.VMEM((SCAN_BLK,), jnp.int32),
            pltpu.VMEM((SCAN_BLK,), jnp.int32),
            pltpu.VMEM((SCAN_BLK,), jnp.float32),
            pltpu.VMEM((STAGE,), jnp.int32),
            pltpu.VMEM((STAGE,), jnp.int32),
            pltpu.VMEM((STAGE,), jnp.float32),
            pltpu.VMEM((STAGE, D), jnp.float32),
            pltpu.SemaphoreType.DMA,
        ],
        compiler_params=pltpu.CompilerParams(needs_layout_passes=False),
    )
    def spmm_kernel(rows_hbm, cols_hbm, vals_hbm, e_hbm, out_hbm,
                    acc, rows_v, cols_v, vals_v, cst, lst, vst, gbuf,
                    sem):
        core = lax.axis_index("c")
        tid = lax.axis_index("s")
        z16i = jnp.zeros((16,), jnp.int32)
        z16f = jnp.zeros((16,), jnp.float32)

        def zero_gbuf():
            def zrow(i, carry):
                for k in range(D // 16):
                    gbuf[i, pl.ds(k * 16, 16)] = z16f
                return carry

            lax.fori_loop(0, STAGE, zrow, jnp.int32(0))

        def reset_stage():
            for g in range(STAGE // 16):
                cst[pl.ds(g * 16, 16)] = z16i
                lst[pl.ds(g * 16, 16)] = z16i
                vst[pl.ds(g * 16, 16)] = z16f

        reset_stage()

        def flush():
            pltpu.async_copy(e_hbm.at[cst], gbuf, sem).wait()

            def scale(r, carry):
                bval = plsc.load_gather(vst, [z16i + r])
                for k in range(D // 16):
                    gbuf[r, pl.ds(k * 16, 16)] = (
                        gbuf[r, pl.ds(k * 16, 16)] * bval)
                return carry

            lax.fori_loop(0, STAGE, scale, jnp.int32(0))
            pltpu.sync_copy(gbuf, acc.at[lst], add=True)
            reset_stage()

        def chunk_body(c, carry):
            chunk_id = c * 2 + core
            lo = chunk_id * CHUNK
            hi = lo + CHUNK

            zero_gbuf()
            for z in range(TILE_STRIPE // ZROWS):
                pltpu.sync_copy(
                    gbuf.at[pl.ds(0, ZROWS)],
                    acc.at[pl.ds(tid * TILE_STRIPE + z * ZROWS, ZROWS)])
            plsc.subcore_barrier()

            def blk(b, nst):
                off = tid * PER_TILE + b * SCAN_BLK
                pltpu.sync_copy(rows_hbm.at[pl.ds(off, SCAN_BLK)], rows_v)
                pltpu.sync_copy(cols_hbm.at[pl.ds(off, SCAN_BLK)], cols_v)
                pltpu.sync_copy(vals_hbm.at[pl.ds(off, SCAN_BLK)], vals_v)

                def grp(g, nst):
                    base = g * 16
                    r16 = rows_v[pl.ds(base, 16)]
                    m = (r16 >= lo) & (r16 < hi)
                    c16 = cols_v[pl.ds(base, 16)]
                    v16 = vals_v[pl.ds(base, 16)]
                    cnt = jnp.sum(m.astype(jnp.int32))
                    plsc.store_compressed(cst.at[pl.ds(nst, 16)], c16, mask=m)
                    plsc.store_compressed(lst.at[pl.ds(nst, 16)], r16 - lo,
                                          mask=m)
                    plsc.store_compressed(vst.at[pl.ds(nst, 16)], v16, mask=m)
                    nst = nst + cnt
                    do_flush = nst > FLUSH_AT

                    @pl.when(do_flush)
                    def _():
                        flush()

                    return jnp.where(do_flush, 0, nst).astype(jnp.int32)

                return lax.fori_loop(0, NGRP, grp, nst)

            nst = lax.fori_loop(0, NBLK, blk, jnp.int32(0))

            @pl.when(nst > 0)
            def _():
                flush()

            plsc.subcore_barrier()

            is_last = chunk_id == NCHUNKS - 1

            @pl.when(jnp.logical_not(is_last))
            def _():
                pltpu.sync_copy(
                    acc.at[pl.ds(tid * TILE_STRIPE, TILE_STRIPE)],
                    out_hbm.at[pl.ds(lo + tid * TILE_STRIPE, TILE_STRIPE)])

            @pl.when(is_last & (tid < 15))
            def _():
                pltpu.sync_copy(
                    acc.at[pl.ds(tid * LAST_STRIPE, LAST_STRIPE)],
                    out_hbm.at[pl.ds(lo + tid * LAST_STRIPE, LAST_STRIPE)])

            @pl.when(is_last & (tid == 15))
            def _():
                pltpu.sync_copy(
                    acc.at[pl.ds(15 * LAST_STRIPE, LAST_TAIL)],
                    out_hbm.at[pl.ds(lo + 15 * LAST_STRIPE, LAST_TAIL)])

            plsc.subcore_barrier()
            return carry

        lax.fori_loop(0, NCHUNKS // 2, chunk_body, jnp.int32(0))

    return spmm_kernel(rows, cols, vals, E)


def _dense_tc(LE, E, Wc, W1, b):
    BLK = 2000

    def body(le_ref, e_ref, wc_ref, w1_ref, b_ref, o_ref):
        acc = lax.dot_general(le_ref[...], wc_ref[...],
                              (((1,), (1,)), ((), ())),
                              preferred_element_type=jnp.float32)
        acc = acc + lax.dot_general(e_ref[...], w1_ref[...],
                                    (((1,), (1,)), ((), ())),
                                    preferred_element_type=jnp.float32)
        o_ref[...] = acc + b_ref[...]

    return pl.pallas_call(
        body,
        grid=(N_NODES // BLK,),
        in_specs=[
            pl.BlockSpec((BLK, D), lambda i: (i, 0)),
            pl.BlockSpec((BLK, D), lambda i: (i, 0)),
            pl.BlockSpec((D, D), lambda i: (0, 0)),
            pl.BlockSpec((D, D), lambda i: (0, 0)),
            pl.BlockSpec((1, D), lambda i: (0, 0)),
        ],
        out_specs=pl.BlockSpec((BLK, D), lambda i: (i, 0)),
        out_shape=jax.ShapeDtypeStruct((N_NODES, D), jnp.float32),
    )(LE, E, Wc, W1, b)


def kernel(L_indices, L_values, E, W1, b1, W2, b2):
    rows = L_indices[0].astype(jnp.int32)
    cols = L_indices[1].astype(jnp.int32)
    LE = _spmm_sc(rows, cols, L_values.astype(jnp.float32), E)
    Wc = W1 + W2
    b = (b1 + b2).reshape(1, D)
    return _dense_tc(LE, E, Wc, W1, b)

# --- scband reference (transcript-rebuilt; emitter-appended) ---
"""Pipeline reference for scband-ngcf-25589415150204 (READ-ONLY COPY).

The authoritative reference and input builder live on the scoring server;
editing this copy changes nothing except your own understanding.
"""

import jax, jax.numpy as jnp
import numpy as np

N = 100000
NNZ = 1600000
D = 128


def setup_inputs(seed: int = 0) -> dict:
    key = jax.random.key(seed)
    k1, k2, k3, k4, k5, k6, k7 = jax.random.split(key, 7)
    L_indices = jax.random.randint(k1, (2, NNZ), 0, N, dtype=jnp.int64)
    L_values = jax.random.uniform(k2, (NNZ,), dtype=jnp.float32)
    E = jax.random.normal(k3, (N, D), dtype=jnp.float32)
    # NGCFConv parameters: W1, W2 linear layers (layer_size x layer_size)
    bound = np.sqrt(6.0 / (D + D))
    W1 = jax.random.uniform(k4, (D, D), dtype=jnp.float32, minval=-bound, maxval=bound)
    b1 = jnp.zeros((D,), dtype=jnp.float32)
    W2 = jax.random.uniform(k5, (D, D), dtype=jnp.float32, minval=-bound, maxval=bound)
    b2 = jnp.zeros((D,), dtype=jnp.float32)
    return {"L_indices": L_indices, "L_values": L_values, "E": E,
            "W1": W1, "b1": b1, "W2": W2, "b2": b2}


def _spmm(indices, values, X, n_rows):
    # sparse (COO) matrix times dense: gather rows of X by col idx, scale, scatter-add by row idx
    rows = indices[0]
    cols = indices[1]
    gathered = jnp.take(X, cols, axis=0) * values[:, None]
    out = jnp.zeros((n_rows, X.shape[1]), dtype=X.dtype).at[rows].add(gathered)
    return out


def reference(L_indices, L_values, E, W1, b1, W2, b2):
    # NGCFConv.forward(L, I, E):
    #   ego_messages  = (L + I) @ E = L @ E + E
    #   ego_embeddings  = W1(ego_messages)
    #   side_messages = L @ E
    #   side_embeddings = W2(side_messages)
    #   return ego_embeddings + side_embeddings
    LE = _spmm(L_indices, L_values, E, N)
    ego_messages = LE + E
    ego_embeddings = ego_messages @ W1.T + b1
    side_embeddings = LE @ W2.T + b2
    return ego_embeddings + side_embeddings

if __name__ == "__main__":
    import jax
    _d = setup_inputs()
    print(jax.jit(kernel)(*tuple(_d.values())))

</pallas_src>

<mosaic_0001>
#map = affine_map<(d0, d1) -> (0)>
#map1 = affine_map<(d0, d1) -> (0, 0)>
module attributes {stable_mosaic.version = 14 : i64} {
  func.func @spmm_kernel(%arg0: i32, %arg1: i32, %arg2: memref<1600000xi32, #tpu.memory_space<hbm>>, %arg3: memref<1600000xi32, #tpu.memory_space<hbm>>, %arg4: memref<1600000xf32, #tpu.memory_space<hbm>>, %arg5: memref<100000x128xf32, #tpu.memory_space<hbm>>, %arg6: memref<100000x128xf32, #tpu.memory_space<hbm>>, %arg7: memref<12544x128xf32, #tpu.memory_space<vmem_shared>>, %arg8: memref<2000xi32, #tpu.memory_space<vmem>>, %arg9: memref<2000xi32, #tpu.memory_space<vmem>>, %arg10: memref<2000xf32, #tpu.memory_space<vmem>>, %arg11: memref<128xi32, #tpu.memory_space<vmem>>, %arg12: memref<128xi32, #tpu.memory_space<vmem>>, %arg13: memref<128xf32, #tpu.memory_space<vmem>>, %arg14: memref<128x128xf32, #tpu.memory_space<vmem>>, %arg15: memref<!tpu.dma_semaphore, #tpu.memory_space<semaphore_mem>>) attributes {dimension_semantics = [#tpu.dimension_semantics<core_parallel>, #tpu.dimension_semantics<subcore_parallel>], iteration_bounds = array<i64: 2, 16>, scalar_prefetch = 0 : i64, scratch_operands = 9 : i64, tpu.core_type = #tpu.core_type<sc_vector_subcore>, window_params = [{transform_indices = #map}, {transform_indices = #map}, {transform_indices = #map}, {transform_indices = #map1}, {transform_indices = #map1}]} {
    %broadcast_in_dim3A = arith.constant 0 : i32
    %broadcast_in_dim3A_0 = vector.broadcast %broadcast_in_dim3A : i32 to vector<16xi32>
    %broadcast_in_dim3A_1 = arith.constant 0.000000e+00 : f32
    %broadcast_in_dim3A_2 = vector.broadcast %broadcast_in_dim3A_1 : f32 to vector<16xf32>
    %swap3A = arith.constant 0 : index
    %swap3A_3 = tpu.vector_load %arg11[%swap3A] {strides = array<i32>} : memref<128xi32, #tpu.memory_space<vmem>>, vector<16xi32>,
    tpu.vector_store %arg11[%swap3A], %broadcast_in_dim3A_0 {strides = array<i32>} : memref<128xi32, #tpu.memory_space<vmem>>, vector<16xi32>,
    %swap3A_4 = arith.constant 0 : index
    %swap3A_5 = tpu.vector_load %arg12[%swap3A_4] {strides = array<i32>} : memref<128xi32, #tpu.memory_space<vmem>>, vector<16xi32>,
    tpu.vector_store %arg12[%swap3A_4], %broadcast_in_dim3A_0 {strides = array<i32>} : memref<128xi32, #tpu.memory_space<vmem>>, vector<16xi32>,
    %swap3A_6 = arith.constant 0 : index
    %swap3A_7 = tpu.vector_load %arg13[%swap3A_6] {strides = array<i32>} : memref<128xf32, #tpu.memory_space<vmem>>, vector<16xf32>,
    tpu.vector_store %arg13[%swap3A_6], %broadcast_in_dim3A_2 {strides = array<i32>} : memref<128xf32, #tpu.memory_space<vmem>>, vector<16xf32>,
    %swap3A_8 = arith.constant 16 : index
    %swap3A_9 = tpu.vector_load %arg11[%swap3A_8] {strides = array<i32>} : memref<128xi32, #tpu.memory_space<vmem>>, vector<16xi32>,
    tpu.vector_store %arg11[%swap3A_8], %broadcast_in_dim3A_0 {strides = array<i32>} : memref<128xi32, #tpu.memory_space<vmem>>, vector<16xi32>,
    %swap3A_10 = arith.constant 16 : index
    %swap3A_11 = tpu.vector_load %arg12[%swap3A_10] {strides = array<i32>} : memref<128xi32, #tpu.memory_space<vmem>>, vector<16xi32>,
    tpu.vector_store %arg12[%swap3A_10], %broadcast_in_dim3A_0 {strides = array<i32>} : memref<128xi32, #tpu.memory_space<vmem>>, vector<16xi32>,
    %swap3A_12 = arith.constant 16 : index
    %swap3A_13 = tpu.vector_load %arg13[%swap3A_12] {strides = array<i32>} : memref<128xf32, #tpu.memory_space<vmem>>, vector<16xf32>,
    tpu.vector_store %arg13[%swap3A_12], %broadcast_in_dim3A_2 {strides = array<i32>} : memref<128xf32, #tpu.memory_space<vmem>>, vector<16xf32>,
    %swap3A_14 = arith.constant 32 : index
    %swap3A_15 = tpu.vector_load %arg11[%swap3A_14] {strides = array<i32>} : memref<128xi32, #tpu.memory_space<vmem>>, vector<16xi32>,
    tpu.vector_store %arg11[%swap3A_14], %broadcast_in_dim3A_0 {strides = array<i32>} : memref<128xi32, #tpu.memory_space<vmem>>, vector<16xi32>,
    %swap3A_16 = arith.constant 32 : index
    %swap3A_17 = tpu.vector_load %arg12[%swap3A_16] {strides = array<i32>} : memref<128xi32, #tpu.memory_space<vmem>>, vector<16xi32>,
    tpu.vector_store %arg12[%swap3A_16], %broadcast_in_dim3A_0 {strides = array<i32>} : memref<128xi32, #tpu.memory_space<vmem>>, vector<16xi32>,
    %swap3A_18 = arith.constant 32 : index
    %swap3A_19 = tpu.vector_load %arg13[%swap3A_18] {strides = array<i32>} : memref<128xf32, #tpu.memory_space<vmem>>, vector<16xf32>,
    tpu.vector_store %arg13[%swap3A_18], %broadcast_in_dim3A_2 {strides = array<i32>} : memref<128xf32, #tpu.memory_space<vmem>>, vector<16xf32>,
    %swap3A_20 = arith.constant 48 : index
    %swap3A_21 = tpu.vector_load %arg11[%swap3A_20] {strides = array<i32>} : memref<128xi32, #tpu.memory_space<vmem>>, vector<16xi32>,
    tpu.vector_store %arg11[%swap3A_20], %broadcast_in_dim3A_0 {strides = array<i32>} : memref<128xi32, #tpu.memory_space<vmem>>, vector<16xi32>,
    %swap3A_22 = arith.constant 48 : index
    %swap3A_23 = tpu.vector_load %arg12[%swap3A_22] {strides = array<i32>} : memref<128xi32, #tpu.memory_space<vmem>>, vector<16xi32>,
    tpu.vector_store %arg12[%swap3A_22], %broadcast_in_dim3A_0 {strides = array<i32>} : memref<128xi32, #tpu.memory_space<vmem>>, vector<16xi32>,
    %swap3A_24 = arith.constant 48 : index
    %swap3A_25 = tpu.vector_load %arg13[%swap3A_24] {strides = array<i32>} : memref<128xf32, #tpu.memory_space<vmem>>, vector<16xf32>,
    tpu.vector_store %arg13[%swap3A_24], %broadcast_in_dim3A_2 {strides = array<i32>} : memref<128xf32, #tpu.memory_space<vmem>>, vector<16xf32>,
    %swap3A_26 = arith.constant 64 : index
    %swap3A_27 = tpu.vector_load %arg11[%swap3A_26] {strides = array<i32>} : memref<128xi32, #tpu.memory_space<vmem>>, vector<16xi32>,
    tpu.vector_store %arg11[%swap3A_26], %broadcast_in_dim3A_0 {strides = array<i32>} : memref<128xi32, #tpu.memory_space<vmem>>, vector<16xi32>,
    %swap3A_28 = arith.constant 64 : index
    %swap3A_29 = tpu.vector_load %arg12[%swap3A_28] {strides = array<i32>} : memref<128xi32, #tpu.memory_space<vmem>>, vector<16xi32>,
    tpu.vector_store %arg12[%swap3A_28], %broadcast_in_dim3A_0 {strides = array<i32>} : memref<128xi32, #tpu.memory_space<vmem>>, vector<16xi32>,
    %swap3A_30 = arith.constant 64 : index
    %swap3A_31 = tpu.vector_load %arg13[%swap3A_30] {strides = array<i32>} : memref<128xf32, #tpu.memory_space<vmem>>, vector<16xf32>,
    tpu.vector_store %arg13[%swap3A_30], %broadcast_in_dim3A_2 {strides = array<i32>} : memref<128xf32, #tpu.memory_space<vmem>>, vector<16xf32>,
    %swap3A_32 = arith.constant 80 : index
    %swap3A_33 = tpu.vector_load %arg11[%swap3A_32] {strides = array<i32>} : memref<128xi32, #tpu.memory_space<vmem>>, vector<16xi32>,
    tpu.vector_store %arg11[%swap3A_32], %broadcast_in_dim3A_0 {strides = array<i32>} : memref<128xi32, #tpu.memory_space<vmem>>, vector<16xi32>,
    %swap3A_34 = arith.constant 80 : index
    %swap3A_35 = tpu.vector_load %arg12[%swap3A_34] {strides = array<i32>} : memref<128xi32, #tpu.memory_space<vmem>>, vector<16xi32>,
    tpu.vector_store %arg12[%swap3A_34], %broadcast_in_dim3A_0 {strides = array<i32>} : memref<128xi32, #tpu.memory_space<vmem>>, vector<16xi32>,
    %swap3A_36 = arith.constant 80 : index
    %swap3A_37 = tpu.vector_load %arg13[%swap3A_36] {strides = array<i32>} : memref<128xf32, #tpu.memory_space<vmem>>, vector<16xf32>,
    tpu.vector_store %arg13[%swap3A_36], %broadcast_in_dim3A_2 {strides = array<i32>} : memref<128xf32, #tpu.memory_space<vmem>>, vector<16xf32>,
    %swap3A_38 = arith.constant 96 : index
    %swap3A_39 = tpu.vector_load %arg11[%swap3A_38] {strides = array<i32>} : memref<128xi32, #tpu.memory_space<vmem>>, vector<16xi32>,
    tpu.vector_store %arg11[%swap3A_38], %broadcast_in_dim3A_0 {strides = array<i32>} : memref<128xi32, #tpu.memory_space<vmem>>, vector<16xi32>,
    %swap3A_40 = arith.constant 96 : index
    %swap3A_41 = tpu.vector_load %arg12[%swap3A_40] {strides = array<i32>} : memref<128xi32, #tpu.memory_space<vmem>>, vector<16xi32>,
    tpu.vector_store %arg12[%swap3A_40], %broadcast_in_dim3A_0 {strides = array<i32>} : memref<128xi32, #tpu.memory_space<vmem>>, vector<16xi32>,
    %swap3A_42 = arith.constant 96 : index
    %swap3A_43 = tpu.vector_load %arg13[%swap3A_42] {strides = array<i32>} : memref<128xf32, #tpu.memory_space<vmem>>, vector<16xf32>,
    tpu.vector_store %arg13[%swap3A_42], %broadcast_in_dim3A_2 {strides = array<i32>} : memref<128xf32, #tpu.memory_space<vmem>>, vector<16xf32>,
    %swap3A_44 = arith.constant 112 : index
    %swap3A_45 = tpu.vector_load %arg11[%swap3A_44] {strides = array<i32>} : memref<128xi32, #tpu.memory_space<vmem>>, vector<16xi32>,
    tpu.vector_store %arg11[%swap3A_44], %broadcast_in_dim3A_0 {strides = array<i32>} : memref<128xi32, #tpu.memory_space<vmem>>, vector<16xi32>,
    %swap3A_46 = arith.constant 112 : index
    %swap3A_47 = tpu.vector_load %arg12[%swap3A_46] {strides = array<i32>} : memref<128xi32, #tpu.memory_space<vmem>>, vector<16xi32>,
    tpu.vector_store %arg12[%swap3A_46], %broadcast_in_dim3A_0 {strides = array<i32>} : memref<128xi32, #tpu.memory_space<vmem>>, vector<16xi32>,
    %swap3A_48 = arith.constant 112 : index
    %swap3A_49 = tpu.vector_load %arg13[%swap3A_48] {strides = array<i32>} : memref<128xf32, #tpu.memory_space<vmem>>, vector<16xf32>,
    tpu.vector_store %arg13[%swap3A_48], %broadcast_in_dim3A_2 {strides = array<i32>} : memref<128xf32, #tpu.memory_space<vmem>>, vector<16xf32>,
    %scan3A = arith.constant 0 : i32
    %scan3A_50 = arith.constant 0 : i32
    %scan3A_51 = arith.constant 4 : i32
    %scan3A_52 = arith.addi %scan3A_50, %scan3A_51 : i32
    %scan3A_53 = arith.constant 1 : i32
    scf.for %scan3A_55 = %scan3A_50 to %scan3A_52 step %scan3A_53  : i32 {
      %mul3A = arith.constant 2 : i32
      %mul3A_56 = arith.muli %scan3A_55, %mul3A : i32
      %add3A = arith.addi %mul3A_56, %arg0 : i32
      %mul3A_57 = arith.constant 12544 : i32
      %mul3A_58 = arith.muli %add3A, %mul3A_57 : i32
      %add3A_59 = arith.constant 12544 : i32
      %add3A_60 = arith.addi %mul3A_58, %add3A_59 : i32
      %scan3A_61 = arith.constant 0 : i32
      %scan3A_62 = arith.constant 0 : i32
      %scan3A_63 = arith.constant 128 : i32
      %scan3A_64 = arith.addi %scan3A_62, %scan3A_63 : i32
      %scan3A_65 = arith.constant 1 : i32
      scf.for %scan3A_121 = %scan3A_62 to %scan3A_64 step %scan3A_65  : i32 {
        %swap3A_122 = arith.index_cast %scan3A_121 : i32 to index
        %swap3A_123 = arith.constant 0 : index
        %swap3A_124 = tpu.vector_load %arg14[%swap3A_122, %swap3A_123] {strides = array<i32>} : memref<128x128xf32, #tpu.memory_space<vmem>>, vector<16xf32>,
        tpu.vector_store %arg14[%swap3A_122, %swap3A_123], %broadcast_in_dim3A_2 {strides = array<i32>} : memref<128x128xf32, #tpu.memory_space<vmem>>, vector<16xf32>,
        %swap3A_125 = arith.index_cast %scan3A_121 : i32 to index
        %swap3A_126 = arith.constant 16 : index
        %swap3A_127 = tpu.vector_load %arg14[%swap3A_125, %swap3A_126] {strides = array<i32>} : memref<128x128xf32, #tpu.memory_space<vmem>>, vector<16xf32>,
        tpu.vector_store %arg14[%swap3A_125, %swap3A_126], %broadcast_in_dim3A_2 {strides = array<i32>} : memref<128x128xf32, #tpu.memory_space<vmem>>, vector<16xf32>,
        %swap3A_128 = arith.index_cast %scan3A_121 : i32 to index
        %swap3A_129 = arith.constant 32 : index
        %swap3A_130 = tpu.vector_load %arg14[%swap3A_128, %swap3A_129] {strides = array<i32>} : memref<128x128xf32, #tpu.memory_space<vmem>>, vector<16xf32>,
        tpu.vector_store %arg14[%swap3A_128, %swap3A_129], %broadcast_in_dim3A_2 {strides = array<i32>} : memref<128x128xf32, #tpu.memory_space<vmem>>, vector<16xf32>,
        %swap3A_131 = arith.index_cast %scan3A_121 : i32 to index
        %swap3A_132 = arith.constant 48 : index
        %swap3A_133 = tpu.vector_load %arg14[%swap3A_131, %swap3A_132] {strides = array<i32>} : memref<128x128xf32, #tpu.memory_space<vmem>>, vector<16xf32>,
        tpu.vector_store %arg14[%swap3A_131, %swap3A_132], %broadcast_in_dim3A_2 {strides = array<i32>} : memref<128x128xf32, #tpu.memory_space<vmem>>, vector<16xf32>,
        %swap3A_134 = arith.index_cast %scan3A_121 : i32 to index
        %swap3A_135 = arith.constant 64 : index
        %swap3A_136 = tpu.vector_load %arg14[%swap3A_134, %swap3A_135] {strides = array<i32>} : memref<128x128xf32, #tpu.memory_space<vmem>>, vector<16xf32>,
        tpu.vector_store %arg14[%swap3A_134, %swap3A_135], %broadcast_in_dim3A_2 {strides = array<i32>} : memref<128x128xf32, #tpu.memory_space<vmem>>, vector<16xf32>,
        %swap3A_137 = arith.index_cast %scan3A_121 : i32 to index
        %swap3A_138 = arith.constant 80 : index
        %swap3A_139 = tpu.vector_load %arg14[%swap3A_137, %swap3A_138] {strides = array<i32>} : memref<128x128xf32, #tpu.memory_space<vmem>>, vector<16xf32>,
        tpu.vector_store %arg14[%swap3A_137, %swap3A_138], %broadcast_in_dim3A_2 {strides = array<i32>} : memref<128x128xf32, #tpu.memory_space<vmem>>, vector<16xf32>,
        %swap3A_140 = arith.index_cast %scan3A_121 : i32 to index
        %swap3A_141 = arith.constant 96 : index
        %swap3A_142 = tpu.vector_load %arg14[%swap3A_140, %swap3A_141] {strides = array<i32>} : memref<128x128xf32, #tpu.memory_space<vmem>>, vector<16xf32>,
        tpu.vector_store %arg14[%swap3A_140, %swap3A_141], %broadcast_in_dim3A_2 {strides = array<i32>} : memref<128x128xf32, #tpu.memory_space<vmem>>, vector<16xf32>,
        %swap3A_143 = arith.index_cast %scan3A_121 : i32 to index
        %swap3A_144 = arith.constant 112 : index
        %swap3A_145 = tpu.vector_load %arg14[%swap3A_143, %swap3A_144] {strides = array<i32>} : memref<128x128xf32, #tpu.memory_space<vmem>>, vector<16xf32>,
        tpu.vector_store %arg14[%swap3A_143, %swap3A_144], %broadcast_in_dim3A_2 {strides = array<i32>} : memref<128x128xf32, #tpu.memory_space<vmem>>, vector<16xf32>,
      }
      %scan3A_66 = arith.constant 128 : i32
      %mul3A_67 = arith.constant 784 : i32
      %mul3A_68 = arith.muli %arg1, %mul3A_67 : i32
      %add3A_69 = arith.constant 0 : i32
      %add3A_70 = arith.addi %mul3A_68, %add3A_69 : i32
      "tpu.region"() ({
        %run_scoped3A = tpu.sem_alloc : memref<!tpu.dma_semaphore, #tpu.memory_space<semaphore_mem>>
        %dma_start3A = arith.constant 0 : i32
        %dma_start3A_121 = arith.constant 0 : i32
        %dma_start3A_122 = tpu.memref_slice %arg14[%dma_start3A, %dma_start3A_121] : memref<128x128xf32, #tpu.memory_space<vmem>> -> memref<112x128xf32, #tpu.memory_space<vmem>>
        %dma_start3A_123 = arith.constant 0 : i32
        %dma_start3A_124 = tpu.memref_slice %arg7[%add3A_70, %dma_start3A_123] : memref<12544x128xf32, #tpu.memory_space<vmem_shared>> -> memref<112x128xf32, #tpu.memory_space<vmem_shared>>
        %dma_start3A_125 = arith.constant 0 : i32
        %dma_start3A_126 = tpu.memref_slice %arg7[%add3A_70, %dma_start3A_125] : memref<12544x128xf32, #tpu.memory_space<vmem_shared>> -> memref<112x128xf32, #tpu.memory_space<vmem_shared>>
        %dma_start3A_127 = arith.constant 0 : i32
        %dma_start3A_128 = arith.constant 0 : i32
        %dma_start3A_129 = tpu.memref_slice %arg14[%dma_start3A_127, %dma_start3A_128] : memref<128x128xf32, #tpu.memory_space<vmem>> -> memref<112x128xf32, #tpu.memory_space<vmem>>
        tpu.enqueue_dma source(%dma_start3A_129 : memref<112x128xf32, #tpu.memory_space<vmem>>) target(%dma_start3A_126 : memref<112x128xf32, #tpu.memory_space<vmem_shared>>) target_semaphore(%run_scoped3A : memref<!tpu.dma_semaphore, #tpu.memory_space<semaphore_mem>>)
        %dma_wait3A = arith.constant 0 : i32
        %dma_wait3A_130 = arith.constant 0 : i32
        %dma_wait3A_131 = tpu.memref_slice %arg14[%dma_wait3A, %dma_wait3A_130] : memref<128x128xf32, #tpu.memory_space<vmem>> -> memref<112x128xf32, #tpu.memory_space<vmem>>
        %dma_wait3A_132 = arith.constant 0 : i32
        %dma_wait3A_133 = tpu.memref_slice %arg7[%add3A_70, %dma_wait3A_132] : memref<12544x128xf32, #tpu.memory_space<vmem_shared>> -> memref<112x128xf32, #tpu.memory_space<vmem_shared>>
        %dma_wait3A_134 = arith.constant 0 : i32
        %dma_wait3A_135 = tpu.memref_slice %arg7[%add3A_70, %dma_wait3A_134] : memref<12544x128xf32, #tpu.memory_space<vmem_shared>> -> memref<112x128xf32, #tpu.memory_space<vmem_shared>>
        %dma_wait3A_136 = arith.constant 0 : i32
        %dma_wait3A_137 = arith.constant 0 : i32
        %dma_wait3A_138 = tpu.memref_slice %arg14[%dma_wait3A_136, %dma_wait3A_137] : memref<128x128xf32, #tpu.memory_space<vmem>> -> memref<112x128xf32, #tpu.memory_space<vmem>>
        tpu.wait_dma2 semaphore(%run_scoped3A : memref<!tpu.dma_semaphore, #tpu.memory_space<semaphore_mem>>) src(%dma_wait3A_138 : memref<112x128xf32, #tpu.memory_space<vmem>>) dst(%dma_wait3A_135 : memref<112x128xf32, #tpu.memory_space<vmem_shared>>)
        tpu.yield
      }) : () -> ()
      %mul3A_71 = arith.constant 784 : i32
      %mul3A_72 = arith.muli %arg1, %mul3A_71 : i32
      %add3A_73 = arith.constant 112 : i32
      %add3A_74 = arith.addi %mul3A_72, %add3A_73 : i32
      "tpu.region"() ({
        %run_scoped3A = tpu.sem_alloc : memref<!tpu.dma_semaphore, #tpu.memory_space<semaphore_mem>>
        %dma_start3A = arith.constant 0 : i32
        %dma_start3A_121 = arith.constant 0 : i32
        %dma_start3A_122 = tpu.memref_slice %arg14[%dma_start3A, %dma_start3A_121] : memref<128x128xf32, #tpu.memory_space<vmem>> -> memref<112x128xf32, #tpu.memory_space<vmem>>
        %dma_start3A_123 = arith.constant 0 : i32
        %dma_start3A_124 = tpu.memref_slice %arg7[%add3A_74, %dma_start3A_123] : memref<12544x128xf32, #tpu.memory_space<vmem_shared>> -> memref<112x128xf32, #tpu.memory_space<vmem_shared>>
        %dma_start3A_125 = arith.constant 0 : i32
        %dma_start3A_126 = tpu.memref_slice %arg7[%add3A_74, %dma_start3A_125] : memref<12544x128xf32, #tpu.memory_space<vmem_shared>> -> memref<112x128xf32, #tpu.memory_space<vmem_shared>>
        %dma_start3A_127 = arith.constant 0 : i32
        %dma_start3A_128 = arith.constant 0 : i32
        %dma_start3A_129 = tpu.memref_slice %arg14[%dma_start3A_127, %dma_start3A_128] : memref<128x128xf32, #tpu.memory_space<vmem>> -> memref<112x128xf32, #tpu.memory_space<vmem>>
        tpu.enqueue_dma source(%dma_start3A_129 : memref<112x128xf32, #tpu.memory_space<vmem>>) target(%dma_start3A_126 : memref<112x128xf32, #tpu.memory_space<vmem_shared>>) target_semaphore(%run_scoped3A : memref<!tpu.dma_semaphore, #tpu.memory_space<semaphore_mem>>)
        %dma_wait3A = arith.constant 0 : i32
        %dma_wait3A_130 = arith.constant 0 : i32
        %dma_wait3A_131 = tpu.memref_slice %arg14[%dma_wait3A, %dma_wait3A_130] : memref<128x128xf32, #tpu.memory_space<vmem>> -> memref<112x128xf32, #tpu.memory_space<vmem>>
        %dma_wait3A_132 = arith.constant 0 : i32
        %dma_wait3A_133 = tpu.memref_slice %arg7[%add3A_74, %dma_wait3A_132] : memref<12544x128xf32, #tpu.memory_space<vmem_shared>> -> memref<112x128xf32, #tpu.memory_space<vmem_shared>>
        %dma_wait3A_134 = arith.constant 0 : i32
        %dma_wait3A_135 = tpu.memref_slice %arg7[%add3A_74, %dma_wait3A_134] : memref<12544x128xf32, #tpu.memory_space<vmem_shared>> -> memref<112x128xf32, #tpu.memory_space<vmem_shared>>
        %dma_wait3A_136 = arith.constant 0 : i32
        %dma_wait3A_137 = arith.constant 0 : i32
        %dma_wait3A_138 = tpu.memref_slice %arg14[%dma_wait3A_136, %dma_wait3A_137] : memref<128x128xf32, #tpu.memory_space<vmem>> -> memref<112x128xf32, #tpu.memory_space<vmem>>
        tpu.wait_dma2 semaphore(%run_scoped3A : memref<!tpu.dma_semaphore, #tpu.memory_space<semaphore_mem>>) src(%dma_wait3A_138 : memref<112x128xf32, #tpu.memory_space<vmem>>) dst(%dma_wait3A_135 : memref<112x128xf32, #tpu.memory_space<vmem_shared>>)
        tpu.yield
      }) : () -> ()
      %mul3A_75 = arith.constant 784 : i32
      %mul3A_76 = arith.muli %arg1, %mul3A_75 : i32
      %add3A_77 = arith.constant 224 : i32
      %add3A_78 = arith.addi %mul3A_76, %add3A_77 : i32
      "tpu.region"() ({
        %run_scoped3A = tpu.sem_alloc : memref<!tpu.dma_semaphore, #tpu.memory_space<semaphore_mem>>
        %dma_start3A = arith.constant 0 : i32
        %dma_start3A_121 = arith.constant 0 : i32
        %dma_start3A_122 = tpu.memref_slice %arg14[%dma_start3A, %dma_start3A_121] : memref<128x128xf32, #tpu.memory_space<vmem>> -> memref<112x128xf32, #tpu.memory_space<vmem>>
        %dma_start3A_123 = arith.constant 0 : i32
        %dma_start3A_124 = tpu.memref_slice %arg7[%add3A_78, %dma_start3A_123] : memref<12544x128xf32, #tpu.memory_space<vmem_shared>> -> memref<112x128xf32, #tpu.memory_space<vmem_shared>>
        %dma_start3A_125 = arith.constant 0 : i32
        %dma_start3A_126 = tpu.memref_slice %arg7[%add3A_78, %dma_start3A_125] : memref<12544x128xf32, #tpu.memory_space<vmem_shared>> -> memref<112x128xf32, #tpu.memory_space<vmem_shared>>
        %dma_start3A_127 = arith.constant 0 : i32
        %dma_start3A_128 = arith.constant 0 : i32
        %dma_start3A_129 = tpu.memref_slice %arg14[%dma_start3A_127, %dma_start3A_128] : memref<128x128xf32, #tpu.memory_space<vmem>> -> memref<112x128xf32, #tpu.memory_space<vmem>>
        tpu.enqueue_dma source(%dma_start3A_129 : memref<112x128xf32, #tpu.memory_space<vmem>>) target(%dma_start3A_126 : memref<112x128xf32, #tpu.memory_space<vmem_shared>>) target_semaphore(%run_scoped3A : memref<!tpu.dma_semaphore, #tpu.memory_space<semaphore_mem>>)
        %dma_wait3A = arith.constant 0 : i32
        %dma_wait3A_130 = arith.constant 0 : i32
        %dma_wait3A_131 = tpu.memref_slice %arg14[%dma_wait3A, %dma_wait3A_130] : memref<128x128xf32, #tpu.memory_space<vmem>> -> memref<112x128xf32, #tpu.memory_space<vmem>>
        %dma_wait3A_132 = arith.constant 0 : i32
        %dma_wait3A_133 = tpu.memref_slice %arg7[%add3A_78, %dma_wait3A_132] : memref<12544x128xf32, #tpu.memory_space<vmem_shared>> -> memref<112x128xf32, #tpu.memory_space<vmem_shared>>
        %dma_wait3A_134 = arith.constant 0 : i32
        %dma_wait3A_135 = tpu.memref_slice %arg7[%add3A_78, %dma_wait3A_134] : memref<12544x128xf32, #tpu.memory_space<vmem_shared>> -> memref<112x128xf32, #tpu.memory_space<vmem_shared>>
        %dma_wait3A_136 = arith.constant 0 : i32
        %dma_wait3A_137 = arith.constant 0 : i32
        %dma_wait3A_138 = tpu.memref_slice %arg14[%dma_wait3A_136, %dma_wait3A_137] : memref<128x128xf32, #tpu.memory_space<vmem>> -> memref<112x128xf32, #tpu.memory_space<vmem>>
        tpu.wait_dma2 semaphore(%run_scoped3A : memref<!tpu.dma_semaphore, #tpu.memory_space<semaphore_mem>>) src(%dma_wait3A_138 : memref<112x128xf32, #tpu.memory_space<vmem>>) dst(%dma_wait3A_135 : memref<112x128xf32, #tpu.memory_space<vmem_shared>>)
        tpu.yield
      }) : () -> ()
      %mul3A_79 = arith.constant 784 : i32
      %mul3A_80 = arith.muli %arg1, %mul3A_79 : i32
      %add3A_81 = arith.constant 336 : i32
      %add3A_82 = arith.addi %mul3A_80, %add3A_81 : i32
      "tpu.region"() ({
        %run_scoped3A = tpu.sem_alloc : memref<!tpu.dma_semaphore, #tpu.memory_space<semaphore_mem>>
        %dma_start3A = arith.constant 0 : i32
        %dma_start3A_121 = arith.constant 0 : i32
        %dma_start3A_122 = tpu.memref_slice %arg14[%dma_start3A, %dma_start3A_121] : memref<128x128xf32, #tpu.memory_space<vmem>> -> memref<112x128xf32, #tpu.memory_space<vmem>>
        %dma_start3A_123 = arith.constant 0 : i32
        %dma_start3A_124 = tpu.memref_slice %arg7[%add3A_82, %dma_start3A_123] : memref<12544x128xf32, #tpu.memory_space<vmem_shared>> -> memref<112x128xf32, #tpu.memory_space<vmem_shared>>
        %dma_start3A_125 = arith.constant 0 : i32
        %dma_start3A_126 = tpu.memref_slice %arg7[%add3A_82, %dma_start3A_125] : memref<12544x128xf32, #tpu.memory_space<vmem_shared>> -> memref<112x128xf32, #tpu.memory_space<vmem_shared>>
        %dma_start3A_127 = arith.constant 0 : i32
        %dma_start3A_128 = arith.constant 0 : i32
        %dma_start3A_129 = tpu.memref_slice %arg14[%dma_start3A_127, %dma_start3A_128] : memref<128x128xf32, #tpu.memory_space<vmem>> -> memref<112x128xf32, #tpu.memory_space<vmem>>
        tpu.enqueue_dma source(%dma_start3A_129 : memref<112x128xf32, #tpu.memory_space<vmem>>) target(%dma_start3A_126 : memref<112x128xf32, #tpu.memory_space<vmem_shared>>) target_semaphore(%run_scoped3A : memref<!tpu.dma_semaphore, #tpu.memory_space<semaphore_mem>>)
        %dma_wait3A = arith.constant 0 : i32
        %dma_wait3A_130 = arith.constant 0 : i32
        %dma_wait3A_131 = tpu.memref_slice %arg14[%dma_wait3A, %dma_wait3A_130] : memref<128x128xf32, #tpu.memory_space<vmem>> -> memref<112x128xf32, #tpu.memory_space<vmem>>
        %dma_wait3A_132 = arith.constant 0 : i32
        %dma_wait3A_133 = tpu.memref_slice %arg7[%add3A_82, %dma_wait3A_132] : memref<12544x128xf32, #tpu.memory_space<vmem_shared>> -> memref<112x128xf32, #tpu.memory_space<vmem_shared>>
        %dma_wait3A_134 = arith.constant 0 : i32
        %dma_wait3A_135 = tpu.memref_slice %arg7[%add3A_82, %dma_wait3A_134] : memref<12544x128xf32, #tpu.memory_space<vmem_shared>> -> memref<112x128xf32, #tpu.memory_space<vmem_shared>>
        %dma_wait3A_136 = arith.constant 0 : i32
        %dma_wait3A_137 = arith.constant 0 : i32
        %dma_wait3A_138 = tpu.memref_slice %arg14[%dma_wait3A_136, %dma_wait3A_137] : memref<128x128xf32, #tpu.memory_space<vmem>> -> memref<112x128xf32, #tpu.memory_space<vmem>>
        tpu.wait_dma2 semaphore(%run_scoped3A : memref<!tpu.dma_semaphore, #tpu.memory_space<semaphore_mem>>) src(%dma_wait3A_138 : memref<112x128xf32, #tpu.memory_space<vmem>>) dst(%dma_wait3A_135 : memref<112x128xf32, #tpu.memory_space<vmem_shared>>)
        tpu.yield
      }) : () -> ()
      %mul3A_83 = arith.constant 784 : i32
      %mul3A_84 = arith.muli %arg1, %mul3A_83 : i32
      %add3A_85 = arith.constant 448 : i32
      %add3A_86 = arith.addi %mul3A_84, %add3A_85 : i32
      "tpu.region"() ({
        %run_scoped3A = tpu.sem_alloc : memref<!tpu.dma_semaphore, #tpu.memory_space<semaphore_mem>>
        %dma_start3A = arith.constant 0 : i32
        %dma_start3A_121 = arith.constant 0 : i32
        %dma_start3A_122 = tpu.memref_slice %arg14[%dma_start3A, %dma_start3A_121] : memref<128x128xf32, #tpu.memory_space<vmem>> -> memref<112x128xf32, #tpu.memory_space<vmem>>
        %dma_start3A_123 = arith.constant 0 : i32
        %dma_start3A_124 = tpu.memref_slice %arg7[%add3A_86, %dma_start3A_123] : memref<12544x128xf32, #tpu.memory_space<vmem_shared>> -> memref<112x128xf32, #tpu.memory_space<vmem_shared>>
        %dma_start3A_125 = arith.constant 0 : i32
        %dma_start3A_126 = tpu.memref_slice %arg7[%add3A_86, %dma_start3A_125] : memref<12544x128xf32, #tpu.memory_space<vmem_shared>> -> memref<112x128xf32, #tpu.memory_space<vmem_shared>>
        %dma_start3A_127 = arith.constant 0 : i32
        %dma_start3A_128 = arith.constant 0 : i32
        %dma_start3A_129 = tpu.memref_slice %arg14[%dma_start3A_127, %dma_start3A_128] : memref<128x128xf32, #tpu.memory_space<vmem>> -> memref<112x128xf32, #tpu.memory_space<vmem>>
        tpu.enqueue_dma source(%dma_start3A_129 : memref<112x128xf32, #tpu.memory_space<vmem>>) target(%dma_start3A_126 : memref<112x128xf32, #tpu.memory_space<vmem_shared>>) target_semaphore(%run_scoped3A : memref<!tpu.dma_semaphore, #tpu.memory_space<semaphore_mem>>)
        %dma_wait3A = arith.constant 0 : i32
        %dma_wait3A_130 = arith.constant 0 : i32
        %dma_wait3A_131 = tpu.memref_slice %arg14[%dma_wait3A, %dma_wait3A_130] : memref<128x128xf32, #tpu.memory_space<vmem>> -> memref<112x128xf32, #tpu.memory_space<vmem>>
        %dma_wait3A_132 = arith.constant 0 : i32
        %dma_wait3A_133 = tpu.memref_slice %arg7[%add3A_86, %dma_wait3A_132] : memref<12544x128xf32, #tpu.memory_space<vmem_shared>> -> memref<112x128xf32, #tpu.memory_space<vmem_shared>>
        %dma_wait3A_134 = arith.constant 0 : i32
        %dma_wait3A_135 = tpu.memref_slice %arg7[%add3A_86, %dma_wait3A_134] : memref<12544x128xf32, #tpu.memory_space<vmem_shared>> -> memref<112x128xf32, #tpu.memory_space<vmem_shared>>
        %dma_wait3A_136 = arith.constant 0 : i32
        %dma_wait3A_137 = arith.constant 0 : i32
        %dma_wait3A_138 = tpu.memref_slice %arg14[%dma_wait3A_136, %dma_wait3A_137] : memref<128x128xf32, #tpu.memory_space<vmem>> -> memref<112x128xf32, #tpu.memory_space<vmem>>
        tpu.wait_dma2 semaphore(%run_scoped3A : memref<!tpu.dma_semaphore, #tpu.memory_space<semaphore_mem>>) src(%dma_wait3A_138 : memref<112x128xf32, #tpu.memory_space<vmem>>) dst(%dma_wait3A_135 : memref<112x128xf32, #tpu.memory_space<vmem_shared>>)
        tpu.yield
      }) : () -> ()
      %mul3A_87 = arith.constant 784 : i32
      %mul3A_88 = arith.muli %arg1, %mul3A_87 : i32
      %add3A_89 = arith.constant 560 : i32
      %add3A_90 = arith.addi %mul3A_88, %add3A_89 : i32
      "tpu.region"() ({
        %run_scoped3A = tpu.sem_alloc : memref<!tpu.dma_semaphore, #tpu.memory_space<semaphore_mem>>
        %dma_start3A = arith.constant 0 : i32
        %dma_start3A_121 = arith.constant 0 : i32
        %dma_start3A_122 = tpu.memref_slice %arg14[%dma_start3A, %dma_start3A_121] : memref<128x128xf32, #tpu.memory_space<vmem>> -> memref<112x128xf32, #tpu.memory_space<vmem>>
        %dma_start3A_123 = arith.constant 0 : i32
        %dma_start3A_124 = tpu.memref_slice %arg7[%add3A_90, %dma_start3A_123] : memref<12544x128xf32, #tpu.memory_space<vmem_shared>> -> memref<112x128xf32, #tpu.memory_space<vmem_shared>>
        %dma_start3A_125 = arith.constant 0 : i32
        %dma_start3A_126 = tpu.memref_slice %arg7[%add3A_90, %dma_start3A_125] : memref<12544x128xf32, #tpu.memory_space<vmem_shared>> -> memref<112x128xf32, #tpu.memory_space<vmem_shared>>
        %dma_start3A_127 = arith.constant 0 : i32
        %dma_start3A_128 = arith.constant 0 : i32
        %dma_start3A_129 = tpu.memref_slice %arg14[%dma_start3A_127, %dma_start3A_128] : memref<128x128xf32, #tpu.memory_space<vmem>> -> memref<112x128xf32, #tpu.memory_space<vmem>>
        tpu.enqueue_dma source(%dma_start3A_129 : memref<112x128xf32, #tpu.memory_space<vmem>>) target(%dma_start3A_126 : memref<112x128xf32, #tpu.memory_space<vmem_shared>>) target_semaphore(%run_scoped3A : memref<!tpu.dma_semaphore, #tpu.memory_space<semaphore_mem>>)
        %dma_wait3A = arith.constant 0 : i32
        %dma_wait3A_130 = arith.constant 0 : i32
        %dma_wait3A_131 = tpu.memref_slice %arg14[%dma_wait3A, %dma_wait3A_130] : memref<128x128xf32, #tpu.memory_space<vmem>> -> memref<112x128xf32, #tpu.memory_space<vmem>>
        %dma_wait3A_132 = arith.constant 0 : i32
        %dma_wait3A_133 = tpu.memref_slice %arg7[%add3A_90, %dma_wait3A_132] : memref<12544x128xf32, #tpu.memory_space<vmem_shared>> -> memref<112x128xf32, #tpu.memory_space<vmem_shared>>
        %dma_wait3A_134 = arith.constant 0 : i32
        %dma_wait3A_135 = tpu.memref_slice %arg7[%add3A_90, %dma_wait3A_134] : memref<12544x128xf32, #tpu.memory_space<vmem_shared>> -> memref<112x128xf32, #tpu.memory_space<vmem_shared>>
        %dma_wait3A_136 = arith.constant 0 : i32
        %dma_wait3A_137 = arith.constant 0 : i32
        %dma_wait3A_138 = tpu.memref_slice %arg14[%dma_wait3A_136, %dma_wait3A_137] : memref<128x128xf32, #tpu.memory_space<vmem>> -> memref<112x128xf32, #tpu.memory_space<vmem>>
        tpu.wait_dma2 semaphore(%run_scoped3A : memref<!tpu.dma_semaphore, #tpu.memory_space<semaphore_mem>>) src(%dma_wait3A_138 : memref<112x128xf32, #tpu.memory_space<vmem>>) dst(%dma_wait3A_135 : memref<112x128xf32, #tpu.memory_space<vmem_shared>>)
        tpu.yield
      }) : () -> ()
      %mul3A_91 = arith.constant 784 : i32
      %mul3A_92 = arith.muli %arg1, %mul3A_91 : i32
      %add3A_93 = arith.constant 672 : i32
      %add3A_94 = arith.addi %mul3A_92, %add3A_93 : i32
      "tpu.region"() ({
        %run_scoped3A = tpu.sem_alloc : memref<!tpu.dma_semaphore, #tpu.memory_space<semaphore_mem>>
        %dma_start3A = arith.constant 0 : i32
        %dma_start3A_121 = arith.constant 0 : i32
        %dma_start3A_122 = tpu.memref_slice %arg14[%dma_start3A, %dma_start3A_121] : memref<128x128xf32, #tpu.memory_space<vmem>> -> memref<112x128xf32, #tpu.memory_space<vmem>>
        %dma_start3A_123 = arith.constant 0 : i32
        %dma_start3A_124 = tpu.memref_slice %arg7[%add3A_94, %dma_start3A_123] : memref<12544x128xf32, #tpu.memory_space<vmem_shared>> -> memref<112x128xf32, #tpu.memory_space<vmem_shared>>
        %dma_start3A_125 = arith.constant 0 : i32
        %dma_start3A_126 = tpu.memref_slice %arg7[%add3A_94, %dma_start3A_125] : memref<12544x128xf32, #tpu.memory_space<vmem_shared>> -> memref<112x128xf32, #tpu.memory_space<vmem_shared>>
        %dma_start3A_127 = arith.constant 0 : i32
        %dma_start3A_128 = arith.constant 0 : i32
        %dma_start3A_129 = tpu.memref_slice %arg14[%dma_start3A_127, %dma_start3A_128] : memref<128x128xf32, #tpu.memory_space<vmem>> -> memref<112x128xf32, #tpu.memory_space<vmem>>
        tpu.enqueue_dma source(%dma_start3A_129 : memref<112x128xf32, #tpu.memory_space<vmem>>) target(%dma_start3A_126 : memref<112x128xf32, #tpu.memory_space<vmem_shared>>) target_semaphore(%run_scoped3A : memref<!tpu.dma_semaphore, #tpu.memory_space<semaphore_mem>>)
        %dma_wait3A = arith.constant 0 : i32
        %dma_wait3A_130 = arith.constant 0 : i32
        %dma_wait3A_131 = tpu.memref_slice %arg14[%dma_wait3A, %dma_wait3A_130] : memref<128x128xf32, #tpu.memory_space<vmem>> -> memref<112x128xf32, #tpu.memory_space<vmem>>
        %dma_wait3A_132 = arith.constant 0 : i32
        %dma_wait3A_133 = tpu.memref_slice %arg7[%add3A_94, %dma_wait3A_132] : memref<12544x128xf32, #tpu.memory_space<vmem_shared>> -> memref<112x128xf32, #tpu.memory_space<vmem_shared>>
        %dma_wait3A_134 = arith.constant 0 : i32
        %dma_wait3A_135 = tpu.memref_slice %arg7[%add3A_94, %dma_wait3A_134] : memref<12544x128xf32, #tpu.memory_space<vmem_shared>> -> memref<112x128xf32, #tpu.memory_space<vmem_shared>>
        %dma_wait3A_136 = arith.constant 0 : i32
        %dma_wait3A_137 = arith.constant 0 : i32
        %dma_wait3A_138 = tpu.memref_slice %arg14[%dma_wait3A_136, %dma_wait3A_137] : memref<128x128xf32, #tpu.memory_space<vmem>> -> memref<112x128xf32, #tpu.memory_space<vmem>>
        tpu.wait_dma2 semaphore(%run_scoped3A : memref<!tpu.dma_semaphore, #tpu.memory_space<semaphore_mem>>) src(%dma_wait3A_138 : memref<112x128xf32, #tpu.memory_space<vmem>>) dst(%dma_wait3A_135 : memref<112x128xf32, #tpu.memory_space<vmem_shared>>)
        tpu.yield
      }) : () -> ()
      %barrier3A = arith.constant 0 : index
      tpu.barrier barrier_id(%barrier3A)
      %scan3A_95 = arith.constant 0 : i32
      %scan3A_96 = arith.constant 0 : i32
      %scan3A_97 = arith.constant 50 : i32
      %scan3A_98 = arith.addi %scan3A_96, %scan3A_97 : i32
      %scan3A_99 = arith.constant 1 : i32
      %scan3A_100 = scf.for %scan3A_121 = %scan3A_96 to %scan3A_98 step %scan3A_99 iter_args(%scan3A_122 = %scan3A_95) -> (i32)  : i32 {
        %mul3A_123 = arith.constant 100000 : i32
        %mul3A_124 = arith.muli %arg1, %mul3A_123 : i32
        %mul3A_125 = arith.constant 2000 : i32
        %mul3A_126 = arith.muli %scan3A_121, %mul3A_125 : i32
        %add3A_127 = arith.addi %mul3A_124, %mul3A_126 : i32
        "tpu.region"() ({
          %run_scoped3A = tpu.sem_alloc : memref<!tpu.dma_semaphore, #tpu.memory_space<semaphore_mem>>
          %dma_start3A = tpu.memref_slice %arg2[%add3A_127] : memref<1600000xi32, #tpu.memory_space<hbm>> -> memref<2000xi32, #tpu.memory_space<hbm>>
          %dma_start3A_134 = tpu.memref_slice %arg2[%add3A_127] : memref<1600000xi32, #tpu.memory_space<hbm>> -> memref<2000xi32, #tpu.memory_space<hbm>>
          tpu.enqueue_dma source(%dma_start3A_134 : memref<2000xi32, #tpu.memory_space<hbm>>) target(%arg8 : memref<2000xi32, #tpu.memory_space<vmem>>) target_semaphore(%run_scoped3A : memref<!tpu.dma_semaphore, #tpu.memory_space<semaphore_mem>>)
          %dma_wait3A = tpu.memref_slice %arg2[%add3A_127] : memref<1600000xi32, #tpu.memory_space<hbm>> -> memref<2000xi32, #tpu.memory_space<hbm>>
          %dma_wait3A_135 = tpu.memref_slice %arg2[%add3A_127] : memref<1600000xi32, #tpu.memory_space<hbm>> -> memref<2000xi32, #tpu.memory_space<hbm>>
          tpu.wait_dma2 semaphore(%run_scoped3A : memref<!tpu.dma_semaphore, #tpu.memory_space<semaphore_mem>>) src(%dma_wait3A_135 : memref<2000xi32, #tpu.memory_space<hbm>>) dst(%arg8 : memref<2000xi32, #tpu.memory_space<vmem>>)
          tpu.yield
        }) : () -> ()
        "tpu.region"() ({
          %run_scoped3A = tpu.sem_alloc : memref<!tpu.dma_semaphore, #tpu.memory_space<semaphore_mem>>
          %dma_start3A = tpu.memref_slice %arg3[%add3A_127] : memref<1600000xi32, #tpu.memory_space<hbm>> -> memref<2000xi32, #tpu.memory_space<hbm>>
          %dma_start3A_134 = tpu.memref_slice %arg3[%add3A_127] : memref<1600000xi32, #tpu.memory_space<hbm>> -> memref<2000xi32, #tpu.memory_space<hbm>>
          tpu.enqueue_dma source(%dma_start3A_134 : memref<2000xi32, #tpu.memory_space<hbm>>) target(%arg9 : memref<2000xi32, #tpu.memory_space<vmem>>) target_semaphore(%run_scoped3A : memref<!tpu.dma_semaphore, #tpu.memory_space<semaphore_mem>>)
          %dma_wait3A = tpu.memref_slice %arg3[%add3A_127] : memref<1600000xi32, #tpu.memory_space<hbm>> -> memref<2000xi32, #tpu.memory_space<hbm>>
          %dma_wait3A_135 = tpu.memref_slice %arg3[%add3A_127] : memref<1600000xi32, #tpu.memory_space<hbm>> -> memref<2000xi32, #tpu.memory_space<hbm>>
          tpu.wait_dma2 semaphore(%run_scoped3A : memref<!tpu.dma_semaphore, #tpu.memory_space<semaphore_mem>>) src(%dma_wait3A_135 : memref<2000xi32, #tpu.memory_space<hbm>>) dst(%arg9 : memref<2000xi32, #tpu.memory_space<vmem>>)
          tpu.yield
        }) : () -> ()
        "tpu.region"() ({
          %run_scoped3A = tpu.sem_alloc : memref<!tpu.dma_semaphore, #tpu.memory_space<semaphore_mem>>
          %dma_start3A = tpu.memref_slice %arg4[%add3A_127] : memref<1600000xf32, #tpu.memory_space<hbm>> -> memref<2000xf32, #tpu.memory_space<hbm>>
          %dma_start3A_134 = tpu.memref_slice %arg4[%add3A_127] : memref<1600000xf32, #tpu.memory_space<hbm>> -> memref<2000xf32, #tpu.memory_space<hbm>>
          tpu.enqueue_dma source(%dma_start3A_134 : memref<2000xf32, #tpu.memory_space<hbm>>) target(%arg10 : memref<2000xf32, #tpu.memory_space<vmem>>) target_semaphore(%run_scoped3A : memref<!tpu.dma_semaphore, #tpu.memory_space<semaphore_mem>>)
          %dma_wait3A = tpu.memref_slice %arg4[%add3A_127] : memref<1600000xf32, #tpu.memory_space<hbm>> -> memref<2000xf32, #tpu.memory_space<hbm>>
          %dma_wait3A_135 = tpu.memref_slice %arg4[%add3A_127] : memref<1600000xf32, #tpu.memory_space<hbm>> -> memref<2000xf32, #tpu.memory_space<hbm>>
          tpu.wait_dma2 semaphore(%run_scoped3A : memref<!tpu.dma_semaphore, #tpu.memory_space<semaphore_mem>>) src(%dma_wait3A_135 : memref<2000xf32, #tpu.memory_space<hbm>>) dst(%arg10 : memref<2000xf32, #tpu.memory_space<vmem>>)
          tpu.yield
        }) : () -> ()
        %scan3A_128 = arith.constant 0 : i32
        %scan3A_129 = arith.constant 125 : i32
        %scan3A_130 = arith.addi %scan3A_128, %scan3A_129 : i32
        %scan3A_131 = arith.constant 1 : i32
        %scan3A_132 = scf.for %scan3A_134 = %scan3A_128 to %scan3A_130 step %scan3A_131 iter_args(%scan3A_135 = %scan3A_122) -> (i32)  : i32 {
          %mul3A_136 = arith.constant 16 : i32
          %mul3A_137 = arith.muli %scan3A_134, %mul3A_136 : i32
          %get3A = arith.index_cast %mul3A_137 : i32 to index
          %get3A_138 = tpu.vector_load %arg8[%get3A] {strides = array<i32>} : memref<2000xi32, #tpu.memory_space<vmem>>, vector<16xi32>,
          %ge3A = vector.broadcast %mul3A_58 : i32 to vector<16xi32>
          %ge3A_139 = arith.cmpi sge, %get3A_138, %ge3A : vector<16xi32>
          %lt3A_140 = vector.broadcast %add3A_60 : i32 to vector<16xi32>
          %lt3A_141 = arith.cmpi slt, %get3A_138, %lt3A_140 : vector<16xi32>
          %and3A_142 = arith.andi %ge3A_139, %lt3A_141 : vector<16xi1>
          %get3A_143 = arith.index_cast %mul3A_137 : i32 to index
          %get3A_144 = tpu.vector_load %arg9[%get3A_143] {strides = array<i32>} : memref<2000xi32, #tpu.memory_space<vmem>>, vector<16xi32>,
          %get3A_145 = arith.index_cast %mul3A_137 : i32 to index
          %get3A_146 = tpu.vector_load %arg10[%get3A_145] {strides = array<i32>} : memref<2000xf32, #tpu.memory_space<vmem>>, vector<16xf32>,
          %convert_element_type3A_147 = arith.extui %and3A_142 : vector<16xi1> to vector<16xi32>
          %reduce_sum3A = arith.constant true
          %reduce_sum3A_148 = vector.broadcast %reduce_sum3A : i1 to vector<16xi1>
          %reduce_sum3A_149 = tpu.scan <sum>, %convert_element_type3A_147 masked %reduce_sum3A_148 : vector<16xi32>, vector<16xi1> -> vector<16xi32>
          %reduce_sum3A_150 = vector.extract %reduce_sum3A_149[15] : i32 from vector<16xi32>
          %swap3A_151 = arith.index_cast %scan3A_135 : i32 to index
          %swap3A_152 = tpu.vector_load %arg11[%swap3A_151] masked %and3A_142 {strides = array<i32>} : memref<128xi32, #tpu.memory_space<vmem>>, vector<16xi32>, vector<16xi1>
          tpu.vector_store %arg11[%swap3A_151], %get3A_144 masked %and3A_142 {strides = array<i32>} : memref<128xi32, #tpu.memory_space<vmem>>, vector<16xi32>, vector<16xi1>
          %sub3A = vector.broadcast %mul3A_58 : i32 to vector<16xi32>
          %sub3A_153 = arith.subi %get3A_138, %sub3A : vector<16xi32>
          %swap3A_154 = arith.index_cast %scan3A_135 : i32 to index
          %swap3A_155 = tpu.vector_load %arg12[%swap3A_154] masked %and3A_142 {strides = array<i32>} : memref<128xi32, #tpu.memory_space<vmem>>, vector<16xi32>, vector<16xi1>
          tpu.vector_store %arg12[%swap3A_154], %sub3A_153 masked %and3A_142 {strides = array<i32>} : memref<128xi32, #tpu.memory_space<vmem>>, vector<16xi32>, vector<16xi1>
          %swap3A_156 = arith.index_cast %scan3A_135 : i32 to index
          %swap3A_157 = tpu.vector_load %arg13[%swap3A_156] masked %and3A_142 {strides = array<i32>} : memref<128xf32, #tpu.memory_space<vmem>>, vector<16xf32>, vector<16xi1>
          tpu.vector_store %arg13[%swap3A_156], %get3A_146 masked %and3A_142 {strides = array<i32>} : memref<128xf32, #tpu.memory_space<vmem>>, vector<16xf32>, vector<16xi1>
          %add3A_158 = arith.addi %scan3A_135, %reduce_sum3A_150 : i32
          %gt3A_159 = arith.constant 112 : i32
          %gt3A_160 = arith.cmpi sgt, %add3A_158, %gt3A_159 : i32
          %convert_element_type3A_161 = arith.extui %gt3A_160 : i1 to i32
          %cond3A_162 = arith.constant 0 : i32
          %cond3A_163 = arith.cmpi ne, %convert_element_type3A_161, %cond3A_162 : i32
          scf.if %cond3A_163 {
            %dma_start3A = arith.constant 0 : i32
            %dma_start3A_164 = arith.constant 0 : i32
            %dma_start3A_165 = tpu.memref_slice %arg5[%dma_start3A, %dma_start3A_164] : memref<100000x128xf32, #tpu.memory_space<hbm>> -> memref<100000x128xf32, #tpu.memory_space<hbm>>
            tpu.enqueue_indirect_dma source(%dma_start3A_165 : memref<100000x128xf32, #tpu.memory_space<hbm>>) target(%arg14 : memref<128x128xf32, #tpu.memory_space<vmem>>) offsets(%arg11 : memref<128xi32, #tpu.memory_space<vmem>>) semaphore(%arg15 : memref<!tpu.dma_semaphore, #tpu.memory_space<semaphore_mem>>)
            %dma_wait3A = arith.constant 0 : i32
            %dma_wait3A_166 = arith.constant 0 : i32
            %dma_wait3A_167 = tpu.memref_slice %arg5[%dma_wait3A, %dma_wait3A_166] : memref<100000x128xf32, #tpu.memory_space<hbm>> -> memref<100000x128xf32, #tpu.memory_space<hbm>>
            tpu.wait_indirect_dma semaphore(%arg15 : memref<!tpu.dma_semaphore, #tpu.memory_space<semaphore_mem>>) src(%dma_wait3A_167 : memref<100000x128xf32, #tpu.memory_space<hbm>>) dst(%arg14 : memref<128x128xf32, #tpu.memory_space<vmem>>)
            %scan3A_168 = arith.constant 0 : i32
            %scan3A_169 = arith.constant 0 : i32
            %scan3A_170 = arith.constant 128 : i32
            %scan3A_171 = arith.addi %scan3A_169, %scan3A_170 : i32
            %scan3A_172 = arith.constant 1 : i32
            scf.for %scan3A_222 = %scan3A_169 to %scan3A_171 step %scan3A_172  : i32 {
              %add3A_223 = vector.broadcast %scan3A_222 : i32 to vector<16xi32>
              %add3A_224 = arith.addi %broadcast_in_dim3A_0, %add3A_223 : vector<16xi32>
              %gather3A = tpu.vector_load_idx %arg13[%add3A_224] : memref<128xf32, #tpu.memory_space<vmem>>[vector<16xi32>], vector<16xf32>,
              %get3A_225 = arith.index_cast %scan3A_222 : i32 to index
              %get3A_226 = arith.constant 0 : index
              %get3A_227 = tpu.vector_load %arg14[%get3A_225, %get3A_226] {strides = array<i32>} : memref<128x128xf32, #tpu.memory_space<vmem>>, vector<16xf32>,
              %mul3A_228 = arith.mulf %get3A_227, %gather3A : vector<16xf32>
              %swap3A_229 = arith.index_cast %scan3A_222 : i32 to index
              %swap3A_230 = arith.constant 0 : index
              %swap3A_231 = tpu.vector_load %arg14[%swap3A_229, %swap3A_230] {strides = array<i32>} : memref<128x128xf32, #tpu.memory_space<vmem>>, vector<16xf32>,
              tpu.vector_store %arg14[%swap3A_229, %swap3A_230], %mul3A_228 {strides = array<i32>} : memref<128x128xf32, #tpu.memory_space<vmem>>, vector<16xf32>,
              %get3A_232 = arith.index_cast %scan3A_222 : i32 to index
              %get3A_233 = arith.constant 16 : index
              %get3A_234 = tpu.vector_load %arg14[%get3A_232, %get3A_233] {strides = array<i32>} : memref<128x128xf32, #tpu.memory_space<vmem>>, vector<16xf32>,
              %mul3A_235 = arith.mulf %get3A_234, %gather3A : vector<16xf32>
              %swap3A_236 = arith.index_cast %scan3A_222 : i32 to index
              %swap3A_237 = arith.constant 16 : index
              %swap3A_238 = tpu.vector_load %arg14[%swap3A_236, %swap3A_237] {strides = array<i32>} : memref<128x128xf32, #tpu.memory_space<vmem>>, vector<16xf32>,
              tpu.vector_store %arg14[%swap3A_236, %swap3A_237], %mul3A_235 {strides = array<i32>} : memref<128x128xf32, #tpu.memory_space<vmem>>, vector<16xf32>,
              %get3A_239 = arith.index_cast %scan3A_222 : i32 to index
              %get3A_240 = arith.constant 32 : index
              %get3A_241 = tpu.vector_load %arg14[%get3A_239, %get3A_240] {strides = array<i32>} : memref<128x128xf32, #tpu.memory_space<vmem>>, vector<16xf32>,
              %mul3A_242 = arith.mulf %get3A_241, %gather3A : vector<16xf32>
              %swap3A_243 = arith.index_cast %scan3A_222 : i32 to index
              %swap3A_244 = arith.constant 32 : index
              %swap3A_245 = tpu.vector_load %arg14[%swap3A_243, %swap3A_244] {strides = array<i32>} : memref<128x128xf32, #tpu.memory_space<vmem>>, vector<16xf32>,
              tpu.vector_store %arg14[%swap3A_243, %swap3A_244], %mul3A_242 {strides = array<i32>} : memref<128x128xf32, #tpu.memory_space<vmem>>, vector<16xf32>,
              %get3A_246 = arith.index_cast %scan3A_222 : i32 to index
              %get3A_247 = arith.constant 48 : index
              %get3A_248 = tpu.vector_load %arg14[%get3A_246, %get3A_247] {strides = array<i32>} : memref<128x128xf32, #tpu.memory_space<vmem>>, vector<16xf32>,
              %mul3A_249 = arith.mulf %get3A_248, %gather3A : vector<16xf32>
              %swap3A_250 = arith.index_cast %scan3A_222 : i32 to index
              %swap3A_251 = arith.constant 48 : index
              %swap3A_252 = tpu.vector_load %arg14[%swap3A_250, %swap3A_251] {strides = array<i32>} : memref<128x128xf32, #tpu.memory_space<vmem>>, vector<16xf32>,
              tpu.vector_store %arg14[%swap3A_250, %swap3A_251], %mul3A_249 {strides = array<i32>} : memref<128x128xf32, #tpu.memory_space<vmem>>, vector<16xf32>,
              %get3A_253 = arith.index_cast %scan3A_222 : i32 to index
              %get3A_254 = arith.constant 64 : index
              %get3A_255 = tpu.vector_load %arg14[%get3A_253, %get3A_254] {strides = array<i32>} : memref<128x128xf32, #tpu.memory_space<vmem>>, vector<16xf32>,
              %mul3A_256 = arith.mulf %get3A_255, %gather3A : vector<16xf32>
              %swap3A_257 = arith.index_cast %scan3A_222 : i32 to index
              %swap3A_258 = arith.constant 64 : index
              %swap3A_259 = tpu.vector_load %arg14[%swap3A_257, %swap3A_258] {strides = array<i32>} : memref<128x128xf32, #tpu.memory_space<vmem>>, vector<16xf32>,
              tpu.vector_store %arg14[%swap3A_257, %swap3A_258], %mul3A_256 {strides = array<i32>} : memref<128x128xf32, #tpu.memory_space<vmem>>, vector<16xf32>,
              %get3A_260 = arith.index_cast %scan3A_222 : i32 to index
              %get3A_261 = arith.constant 80 : index
              %get3A_262 = tpu.vector_load %arg14[%get3A_260, %get3A_261] {strides = array<i32>} : memref<128x128xf32, #tpu.memory_space<vmem>>, vector<16xf32>,
              %mul3A_263 = arith.mulf %get3A_262, %gather3A : vector<16xf32>
              %swap3A_264 = arith.index_cast %scan3A_222 : i32 to index
              %swap3A_265 = arith.constant 80 : index
              %swap3A_266 = tpu.vector_load %arg14[%swap3A_264, %swap3A_265] {strides = array<i32>} : memref<128x128xf32, #tpu.memory_space<vmem>>, vector<16xf32>,
              tpu.vector_store %arg14[%swap3A_264, %swap3A_265], %mul3A_263 {strides = array<i32>} : memref<128x128xf32, #tpu.memory_space<vmem>>, vector<16xf32>,
              %get3A_267 = arith.index_cast %scan3A_222 : i32 to index
              %get3A_268 = arith.constant 96 : index
              %get3A_269 = tpu.vector_load %arg14[%get3A_267, %get3A_268] {strides = array<i32>} : memref<128x128xf32, #tpu.memory_space<vmem>>, vector<16xf32>,
              %mul3A_270 = arith.mulf %get3A_269, %gather3A : vector<16xf32>
              %swap3A_271 = arith.index_cast %scan3A_222 : i32 to index
              %swap3A_272 = arith.constant 96 : index
              %swap3A_273 = tpu.vector_load %arg14[%swap3A_271, %swap3A_272] {strides = array<i32>} : memref<128x128xf32, #tpu.memory_space<vmem>>, vector<16xf32>,
              tpu.vector_store %arg14[%swap3A_271, %swap3A_272], %mul3A_270 {strides = array<i32>} : memref<128x128xf32, #tpu.memory_space<vmem>>, vector<16xf32>,
              %get3A_274 = arith.index_cast %scan3A_222 : i32 to index
              %get3A_275 = arith.constant 112 : index
              %get3A_276 = tpu.vector_load %arg14[%get3A_274, %get3A_275] {strides = array<i32>} : memref<128x128xf32, #tpu.memory_space<vmem>>, vector<16xf32>,
              %mul3A_277 = arith.mulf %get3A_276, %gather3A : vector<16xf32>
              %swap3A_278 = arith.index_cast %scan3A_222 : i32 to index
              %swap3A_279 = arith.constant 112 : index
              %swap3A_280 = tpu.vector_load %arg14[%swap3A_278, %swap3A_279] {strides = array<i32>} : memref<128x128xf32, #tpu.memory_space<vmem>>, vector<16xf32>,
              tpu.vector_store %arg14[%swap3A_278, %swap3A_279], %mul3A_277 {strides = array<i32>} : memref<128x128xf32, #tpu.memory_space<vmem>>, vector<16xf32>,
            }
            %scan3A_173 = arith.constant 128 : i32
            "tpu.region"() ({
              %run_scoped3A = tpu.sem_alloc : memref<!tpu.dma_semaphore, #tpu.memory_space<semaphore_mem>>
              %dma_start3A_222 = arith.constant 0 : i32
              %dma_start3A_223 = arith.constant 0 : i32
              %dma_start3A_224 = tpu.memref_slice %arg7[%dma_start3A_222, %dma_start3A_223] : memref<12544x128xf32, #tpu.memory_space<vmem_shared>> -> memref<12544x128xf32, #tpu.memory_space<vmem_shared>>
              tpu.enqueue_indirect_dma source(%arg14 : memref<128x128xf32, #tpu.memory_space<vmem>>) target(%dma_start3A_224 : memref<12544x128xf32, #tpu.memory_space<vmem_shared>>) offsets(%arg12 : memref<128xi32, #tpu.memory_space<vmem>>) semaphore(%run_scoped3A : memref<!tpu.dma_semaphore, #tpu.memory_space<semaphore_mem>>) {add = true}
              %dma_wait3A_225 = arith.constant 0 : i32
              %dma_wait3A_226 = arith.constant 0 : i32
              %dma_wait3A_227 = tpu.memref_slice %arg7[%dma_wait3A_225, %dma_wait3A_226] : memref<12544x128xf32, #tpu.memory_space<vmem_shared>> -> memref<12544x128xf32, #tpu.memory_space<vmem_shared>>
              tpu.wait_indirect_dma semaphore(%run_scoped3A : memref<!tpu.dma_semaphore, #tpu.memory_space<semaphore_mem>>) src(%arg14 : memref<128x128xf32, #tpu.memory_space<vmem>>) dst(%dma_wait3A_227 : memref<12544x128xf32, #tpu.memory_space<vmem_shared>>)
              tpu.yield
            }) : () -> ()
            %swap3A_174 = arith.constant 0 : index
            %swap3A_175 = tpu.vector_load %arg11[%swap3A_174] {strides = array<i32>} : memref<128xi32, #tpu.memory_space<vmem>>, vector<16xi32>,
            tpu.vector_store %arg11[%swap3A_174], %broadcast_in_dim3A_0 {strides = array<i32>} : memref<128xi32, #tpu.memory_space<vmem>>, vector<16xi32>,
            %swap3A_176 = arith.constant 0 : index
            %swap3A_177 = tpu.vector_load %arg12[%swap3A_176] {strides = array<i32>} : memref<128xi32, #tpu.memory_space<vmem>>, vector<16xi32>,
            tpu.vector_store %arg12[%swap3A_176], %broadcast_in_dim3A_0 {strides = array<i32>} : memref<128xi32, #tpu.memory_space<vmem>>, vector<16xi32>,
            %swap3A_178 = arith.constant 0 : index
            %swap3A_179 = tpu.vector_load %arg13[%swap3A_178] {strides = array<i32>} : memref<128xf32, #tpu.memory_space<vmem>>, vector<16xf32>,
            tpu.vector_store %arg13[%swap3A_178], %broadcast_in_dim3A_2 {strides = array<i32>} : memref<128xf32, #tpu.memory_space<vmem>>, vector<16xf32>,
            %swap3A_180 = arith.constant 16 : index
            %swap3A_181 = tpu.vector_load %arg11[%swap3A_180] {strides = array<i32>} : memref<128xi32, #tpu.memory_space<vmem>>, vector<16xi32>,
            tpu.vector_store %arg11[%swap3A_180], %broadcast_in_dim3A_0 {strides = array<i32>} : memref<128xi32, #tpu.memory_space<vmem>>, vector<16xi32>,
            %swap3A_182 = arith.constant 16 : index
            %swap3A_183 = tpu.vector_load %arg12[%swap3A_182] {strides = array<i32>} : memref<128xi32, #tpu.memory_space<vmem>>, vector<16xi32>,
            tpu.vector_store %arg12[%swap3A_182], %broadcast_in_dim3A_0 {strides = array<i32>} : memref<128xi32, #tpu.memory_space<vmem>>, vector<16xi32>,
            %swap3A_184 = arith.constant 16 : index
            %swap3A_185 = tpu.vector_load %arg13[%swap3A_184] {strides = array<i32>} : memref<128xf32, #tpu.memory_space<vmem>>, vector<16xf32>,
            tpu.vector_store %arg13[%swap3A_184], %broadcast_in_dim3A_2 {strides = array<i32>} : memref<128xf32, #tpu.memory_space<vmem>>, vector<16xf32>,
            %swap3A_186 = arith.constant 32 : index
            %swap3A_187 = tpu.vector_load %arg11[%swap3A_186] {strides = array<i32>} : memref<128xi32, #tpu.memory_space<vmem>>, vector<16xi32>,
            tpu.vector_store %arg11[%swap3A_186], %broadcast_in_dim3A_0 {strides = array<i32>} : memref<128xi32, #tpu.memory_space<vmem>>, vector<16xi32>,
            %swap3A_188 = arith.constant 32 : index
            %swap3A_189 = tpu.vector_load %arg12[%swap3A_188] {strides = array<i32>} : memref<128xi32, #tpu.memory_space<vmem>>, vector<16xi32>,
            tpu.vector_store %arg12[%swap3A_188], %broadcast_in_dim3A_0 {strides = array<i32>} : memref<128xi32, #tpu.memory_space<vmem>>, vector<16xi32>,
            %swap3A_190 = arith.constant 32 : index
            %swap3A_191 = tpu.vector_load %arg13[%swap3A_190] {strides = array<i32>} : memref<128xf32, #tpu.memory_space<vmem>>, vector<16xf32>,
            tpu.vector_store %arg13[%swap3A_190], %broadcast_in_dim3A_2 {strides = array<i32>} : memref<128xf32, #tpu.memory_space<vmem>>, vector<16xf32>,
            %swap3A_192 = arith.constant 48 : index
            %swap3A_193 = tpu.vector_load %arg11[%swap3A_192] {strides = array<i32>} : memref<128xi32, #tpu.memory_space<vmem>>, vector<16xi32>,
            tpu.vector_store %arg11[%swap3A_192], %broadcast_in_dim3A_0 {strides = array<i32>} : memref<128xi32, #tpu.memory_space<vmem>>, vector<16xi32>,
            %swap3A_194 = arith.constant 48 : index
            %swap3A_195 = tpu.vector_load %arg12[%swap3A_194] {strides = array<i32>} : memref<128xi32, #tpu.memory_space<vmem>>, vector<16xi32>,
            tpu.vector_store %arg12[%swap3A_194], %broadcast_in_dim3A_0 {strides = array<i32>} : memref<128xi32, #tpu.memory_space<vmem>>, vector<16xi32>,
            %swap3A_196 = arith.constant 48 : index
            %swap3A_197 = tpu.vector_load %arg13[%swap3A_196] {strides = array<i32>} : memref<128xf32, #tpu.memory_space<vmem>>, vector<16xf32>,
            tpu.vector_store %arg13[%swap3A_196], %broadcast_in_dim3A_2 {strides = array<i32>} : memref<128xf32, #tpu.memory_space<vmem>>, vector<16xf32>,
            %swap3A_198 = arith.constant 64 : index
            %swap3A_199 = tpu.vector_load %arg11[%swap3A_198] {strides = array<i32>} : memref<128xi32, #tpu.memory_space<vmem>>, vector<16xi32>,
            tpu.vector_store %arg11[%swap3A_198], %broadcast_in_dim3A_0 {strides = array<i32>} : memref<128xi32, #tpu.memory_space<vmem>>, vector<16xi32>,
            %swap3A_200 = arith.constant 64 : index
            %swap3A_201 = tpu.vector_load %arg12[%swap3A_200] {strides = array<i32>} : memref<128xi32, #tpu.memory_space<vmem>>, vector<16xi32>,
            tpu.vector_store %arg12[%swap3A_200], %broadcast_in_dim3A_0 {strides = array<i32>} : memref<128xi32, #tpu.memory_space<vmem>>, vector<16xi32>,
            %swap3A_202 = arith.constant 64 : index
            %swap3A_203 = tpu.vector_load %arg13[%swap3A_202] {strides = array<i32>} : memref<128xf32, #tpu.memory_space<vmem>>, vector<16xf32>,
            tpu.vector_store %arg13[%swap3A_202], %broadcast_in_dim3A_2 {strides = array<i32>} : memref<128xf32, #tpu.memory_space<vmem>>, vector<16xf32>,
            %swap3A_204 = arith.constant 80 : index
            %swap3A_205 = tpu.vector_load %arg11[%swap3A_204] {strides = array<i32>} : memref<128xi32, #tpu.memory_space<vmem>>, vector<16xi32>,
            tpu.vector_store %arg11[%swap3A_204], %broadcast_in_dim3A_0 {strides = array<i32>} : memref<128xi32, #tpu.memory_space<vmem>>, vector<16xi32>,
            %swap3A_206 = arith.constant 80 : index
            %swap3A_207 = tpu.vector_load %arg12[%swap3A_206] {strides = array<i32>} : memref<128xi32, #tpu.memory_space<vmem>>, vector<16xi32>,
            tpu.vector_store %arg12[%swap3A_206], %broadcast_in_dim3A_0 {strides = array<i32>} : memref<128xi32, #tpu.memory_space<vmem>>, vector<16xi32>,
            %swap3A_208 = arith.constant 80 : index
            %swap3A_209 = tpu.vector_load %arg13[%swap3A_208] {strides = array<i32>} : memref<128xf32, #tpu.memory_space<vmem>>, vector<16xf32>,
            tpu.vector_store %arg13[%swap3A_208], %broadcast_in_dim3A_2 {strides = array<i32>} : memref<128xf32, #tpu.memory_space<vmem>>, vector<16xf32>,
            %swap3A_210 = arith.constant 96 : index
            %swap3A_211 = tpu.vector_load %arg11[%swap3A_210] {strides = array<i32>} : memref<128xi32, #tpu.memory_space<vmem>>, vector<16xi32>,
            tpu.vector_store %arg11[%swap3A_210], %broadcast_in_dim3A_0 {strides = array<i32>} : memref<128xi32, #tpu.memory_space<vmem>>, vector<16xi32>,
            %swap3A_212 = arith.constant 96 : index
            %swap3A_213 = tpu.vector_load %arg12[%swap3A_212] {strides = array<i32>} : memref<128xi32, #tpu.memory_space<vmem>>, vector<16xi32>,
            tpu.vector_store %arg12[%swap3A_212], %broadcast_in_dim3A_0 {strides = array<i32>} : memref<128xi32, #tpu.memory_space<vmem>>, vector<16xi32>,
            %swap3A_214 = arith.constant 96 : index
            %swap3A_215 = tpu.vector_load %arg13[%swap3A_214] {strides = array<i32>} : memref<128xf32, #tpu.memory_space<vmem>>, vector<16xf32>,
            tpu.vector_store %arg13[%swap3A_214], %broadcast_in_dim3A_2 {strides = array<i32>} : memref<128xf32, #tpu.memory_space<vmem>>, vector<16xf32>,
            %swap3A_216 = arith.constant 112 : index
            %swap3A_217 = tpu.vector_load %arg11[%swap3A_216] {strides = array<i32>} : memref<128xi32, #tpu.memory_space<vmem>>, vector<16xi32>,
            tpu.vector_store %arg11[%swap3A_216], %broadcast_in_dim3A_0 {strides = array<i32>} : memref<128xi32, #tpu.memory_space<vmem>>, vector<16xi32>,
            %swap3A_218 = arith.constant 112 : index
            %swap3A_219 = tpu.vector_load %arg12[%swap3A_218] {strides = array<i32>} : memref<128xi32, #tpu.memory_space<vmem>>, vector<16xi32>,
            tpu.vector_store %arg12[%swap3A_218], %broadcast_in_dim3A_0 {strides = array<i32>} : memref<128xi32, #tpu.memory_space<vmem>>, vector<16xi32>,
            %swap3A_220 = arith.constant 112 : index
            %swap3A_221 = tpu.vector_load %arg13[%swap3A_220] {strides = array<i32>} : memref<128xf32, #tpu.memory_space<vmem>>, vector<16xf32>,
            tpu.vector_store %arg13[%swap3A_220], %broadcast_in_dim3A_2 {strides = array<i32>} : memref<128xf32, #tpu.memory_space<vmem>>, vector<16xf32>,
          } else {
          }
          %jit3A = arith.constant 0 : i32
          %select_n3A = arith.select %gt3A_160, %jit3A, %add3A_158 : i32
          scf.yield %select_n3A : i32
        }
        %scan3A_133 = arith.constant 125 : i32
        scf.yield %scan3A_132 : i32
      }
      %scan3A_101 = arith.constant 50 : i32
      %gt3A = arith.constant 0 : i32
      %gt3A_102 = arith.cmpi sgt, %scan3A_100, %gt3A : i32
      %convert_element_type3A = arith.extui %gt3A_102 : i1 to i32
      %cond3A = arith.constant 0 : i32
      %cond3A_103 = arith.cmpi ne, %convert_element_type3A, %cond3A : i32
      scf.if %cond3A_103 {
        %dma_start3A = arith.constant 0 : i32
        %dma_start3A_121 = arith.constant 0 : i32
        %dma_start3A_122 = tpu.memref_slice %arg5[%dma_start3A, %dma_start3A_121] : memref<100000x128xf32, #tpu.memory_space<hbm>> -> memref<100000x128xf32, #tpu.memory_space<hbm>>
        tpu.enqueue_indirect_dma source(%dma_start3A_122 : memref<100000x128xf32, #tpu.memory_space<hbm>>) target(%arg14 : memref<128x128xf32, #tpu.memory_space<vmem>>) offsets(%arg11 : memref<128xi32, #tpu.memory_space<vmem>>) semaphore(%arg15 : memref<!tpu.dma_semaphore, #tpu.memory_space<semaphore_mem>>)
        %dma_wait3A = arith.constant 0 : i32
        %dma_wait3A_123 = arith.constant 0 : i32
        %dma_wait3A_124 = tpu.memref_slice %arg5[%dma_wait3A, %dma_wait3A_123] : memref<100000x128xf32, #tpu.memory_space<hbm>> -> memref<100000x128xf32, #tpu.memory_space<hbm>>
        tpu.wait_indirect_dma semaphore(%arg15 : memref<!tpu.dma_semaphore, #tpu.memory_space<semaphore_mem>>) src(%dma_wait3A_124 : memref<100000x128xf32, #tpu.memory_space<hbm>>) dst(%arg14 : memref<128x128xf32, #tpu.memory_space<vmem>>)
        %scan3A_125 = arith.constant 0 : i32
        %scan3A_126 = arith.constant 0 : i32
        %scan3A_127 = arith.constant 128 : i32
        %scan3A_128 = arith.addi %scan3A_126, %scan3A_127 : i32
        %scan3A_129 = arith.constant 1 : i32
        scf.for %scan3A_179 = %scan3A_126 to %scan3A_128 step %scan3A_129  : i32 {
          %add3A_180 = vector.broadcast %scan3A_179 : i32 to vector<16xi32>
          %add3A_181 = arith.addi %broadcast_in_dim3A_0, %add3A_180 : vector<16xi32>
          %gather3A = tpu.vector_load_idx %arg13[%add3A_181] : memref<128xf32, #tpu.memory_space<vmem>>[vector<16xi32>], vector<16xf32>,
          %get3A = arith.index_cast %scan3A_179 : i32 to index
          %get3A_182 = arith.constant 0 : index
          %get3A_183 = tpu.vector_load %arg14[%get3A, %get3A_182] {strides = array<i32>} : memref<128x128xf32, #tpu.memory_space<vmem>>, vector<16xf32>,
          %mul3A_184 = arith.mulf %get3A_183, %gather3A : vector<16xf32>
          %swap3A_185 = arith.index_cast %scan3A_179 : i32 to index
          %swap3A_186 = arith.constant 0 : index
          %swap3A_187 = tpu.vector_load %arg14[%swap3A_185, %swap3A_186] {strides = array<i32>} : memref<128x128xf32, #tpu.memory_space<vmem>>, vector<16xf32>,
          tpu.vector_store %arg14[%swap3A_185, %swap3A_186], %mul3A_184 {strides = array<i32>} : memref<128x128xf32, #tpu.memory_space<vmem>>, vector<16xf32>,
          %get3A_188 = arith.index_cast %scan3A_179 : i32 to index
          %get3A_189 = arith.constant 16 : index
          %get3A_190 = tpu.vector_load %arg14[%get3A_188, %get3A_189] {strides = array<i32>} : memref<128x128xf32, #tpu.memory_space<vmem>>, vector<16xf32>,
          %mul3A_191 = arith.mulf %get3A_190, %gather3A : vector<16xf32>
          %swap3A_192 = arith.index_cast %scan3A_179 : i32 to index
          %swap3A_193 = arith.constant 16 : index
          %swap3A_194 = tpu.vector_load %arg14[%swap3A_192, %swap3A_193] {strides = array<i32>} : memref<128x128xf32, #tpu.memory_space<vmem>>, vector<16xf32>,
          tpu.vector_store %arg14[%swap3A_192, %swap3A_193], %mul3A_191 {strides = array<i32>} : memref<128x128xf32, #tpu.memory_space<vmem>>, vector<16xf32>,
          %get3A_195 = arith.index_cast %scan3A_179 : i32 to index
          %get3A_196 = arith.constant 32 : index
          %get3A_197 = tpu.vector_load %arg14[%get3A_195, %get3A_196] {strides = array<i32>} : memref<128x128xf32, #tpu.memory_space<vmem>>, vector<16xf32>,
          %mul3A_198 = arith.mulf %get3A_197, %gather3A : vector<16xf32>
          %swap3A_199 = arith.index_cast %scan3A_179 : i32 to index
          %swap3A_200 = arith.constant 32 : index
          %swap3A_201 = tpu.vector_load %arg14[%swap3A_199, %swap3A_200] {strides = array<i32>} : memref<128x128xf32, #tpu.memory_space<vmem>>, vector<16xf32>,
          tpu.vector_store %arg14[%swap3A_199, %swap3A_200], %mul3A_198 {strides = array<i32>} : memref<128x128xf32, #tpu.memory_space<vmem>>, vector<16xf32>,
          %get3A_202 = arith.index_cast %scan3A_179 : i32 to index
          %get3A_203 = arith.constant 48 : index
          %get3A_204 = tpu.vector_load %arg14[%get3A_202, %get3A_203] {strides = array<i32>} : memref<128x128xf32, #tpu.memory_space<vmem>>, vector<16xf32>,
          %mul3A_205 = arith.mulf %get3A_204, %gather3A : vector<16xf32>
          %swap3A_206 = arith.index_cast %scan3A_179 : i32 to index
          %swap3A_207 = arith.constant 48 : index
          %swap3A_208 = tpu.vector_load %arg14[%swap3A_206, %swap3A_207] {strides = array<i32>} : memref<128x128xf32, #tpu.memory_space<vmem>>, vector<16xf32>,
          tpu.vector_store %arg14[%swap3A_206, %swap3A_207], %mul3A_205 {strides = array<i32>} : memref<128x128xf32, #tpu.memory_space<vmem>>, vector<16xf32>,
          %get3A_209 = arith.index_cast %scan3A_179 : i32 to index
          %get3A_210 = arith.constant 64 : index
          %get3A_211 = tpu.vector_load %arg14[%get3A_209, %get3A_210] {strides = array<i32>} : memref<128x128xf32, #tpu.memory_space<vmem>>, vector<16xf32>,
          %mul3A_212 = arith.mulf %get3A_211, %gather3A : vector<16xf32>
          %swap3A_213 = arith.index_cast %scan3A_179 : i32 to index
          %swap3A_214 = arith.constant 64 : index
          %swap3A_215 = tpu.vector_load %arg14[%swap3A_213, %swap3A_214] {strides = array<i32>} : memref<128x128xf32, #tpu.memory_space<vmem>>, vector<16xf32>,
          tpu.vector_store %arg14[%swap3A_213, %swap3A_214], %mul3A_212 {strides = array<i32>} : memref<128x128xf32, #tpu.memory_space<vmem>>, vector<16xf32>,
          %get3A_216 = arith.index_cast %scan3A_179 : i32 to index
          %get3A_217 = arith.constant 80 : index
          %get3A_218 = tpu.vector_load %arg14[%get3A_216, %get3A_217] {strides = array<i32>} : memref<128x128xf32, #tpu.memory_space<vmem>>, vector<16xf32>,
          %mul3A_219 = arith.mulf %get3A_218, %gather3A : vector<16xf32>
          %swap3A_220 = arith.index_cast %scan3A_179 : i32 to index
          %swap3A_221 = arith.constant 80 : index
          %swap3A_222 = tpu.vector_load %arg14[%swap3A_220, %swap3A_221] {strides = array<i32>} : memref<128x128xf32, #tpu.memory_space<vmem>>, vector<16xf32>,
          tpu.vector_store %arg14[%swap3A_220, %swap3A_221], %mul3A_219 {strides = array<i32>} : memref<128x128xf32, #tpu.memory_space<vmem>>, vector<16xf32>,
          %get3A_223 = arith.index_cast %scan3A_179 : i32 to index
          %get3A_224 = arith.constant 96 : index
          %get3A_225 = tpu.vector_load %arg14[%get3A_223, %get3A_224] {strides = array<i32>} : memref<128x128xf32, #tpu.memory_space<vmem>>, vector<16xf32>,
          %mul3A_226 = arith.mulf %get3A_225, %gather3A : vector<16xf32>
          %swap3A_227 = arith.index_cast %scan3A_179 : i32 to index
          %swap3A_228 = arith.constant 96 : index
          %swap3A_229 = tpu.vector_load %arg14[%swap3A_227, %swap3A_228] {strides = array<i32>} : memref<128x128xf32, #tpu.memory_space<vmem>>, vector<16xf32>,
          tpu.vector_store %arg14[%swap3A_227, %swap3A_228], %mul3A_226 {strides = array<i32>} : memref<128x128xf32, #tpu.memory_space<vmem>>, vector<16xf32>,
          %get3A_230 = arith.index_cast %scan3A_179 : i32 to index
          %get3A_231 = arith.constant 112 : index
          %get3A_232 = tpu.vector_load %arg14[%get3A_230, %get3A_231] {strides = array<i32>} : memref<128x128xf32, #tpu.memory_space<vmem>>, vector<16xf32>,
          %mul3A_233 = arith.mulf %get3A_232, %gather3A : vector<16xf32>
          %swap3A_234 = arith.index_cast %scan3A_179 : i32 to index
          %swap3A_235 = arith.constant 112 : index
          %swap3A_236 = tpu.vector_load %arg14[%swap3A_234, %swap3A_235] {strides = array<i32>} : memref<128x128xf32, #tpu.memory_space<vmem>>, vector<16xf32>,
          tpu.vector_store %arg14[%swap3A_234, %swap3A_235], %mul3A_233 {strides = array<i32>} : memref<128x128xf32, #tpu.memory_space<vmem>>, vector<16xf32>,
        }
        %scan3A_130 = arith.constant 128 : i32
        "tpu.region"() ({
          %run_scoped3A = tpu.sem_alloc : memref<!tpu.dma_semaphore, #tpu.memory_space<semaphore_mem>>
          %dma_start3A_179 = arith.constant 0 : i32
          %dma_start3A_180 = arith.constant 0 : i32
          %dma_start3A_181 = tpu.memref_slice %arg7[%dma_start3A_179, %dma_start3A_180] : memref<12544x128xf32, #tpu.memory_space<vmem_shared>> -> memref<12544x128xf32, #tpu.memory_space<vmem_shared>>
          tpu.enqueue_indirect_dma source(%arg14 : memref<128x128xf32, #tpu.memory_space<vmem>>) target(%dma_start3A_181 : memref<12544x128xf32, #tpu.memory_space<vmem_shared>>) offsets(%arg12 : memref<128xi32, #tpu.memory_space<vmem>>) semaphore(%run_scoped3A : memref<!tpu.dma_semaphore, #tpu.memory_space<semaphore_mem>>) {add = true}
          %dma_wait3A_182 = arith.constant 0 : i32
          %dma_wait3A_183 = arith.constant 0 : i32
          %dma_wait3A_184 = tpu.memref_slice %arg7[%dma_wait3A_182, %dma_wait3A_183] : memref<12544x128xf32, #tpu.memory_space<vmem_shared>> -> memref<12544x128xf32, #tpu.memory_space<vmem_shared>>
          tpu.wait_indirect_dma semaphore(%run_scoped3A : memref<!tpu.dma_semaphore, #tpu.memory_space<semaphore_mem>>) src(%arg14 : memref<128x128xf32, #tpu.memory_space<vmem>>) dst(%dma_wait3A_184 : memref<12544x128xf32, #tpu.memory_space<vmem_shared>>)
          tpu.yield
        }) : () -> ()
        %swap3A_131 = arith.constant 0 : index
        %swap3A_132 = tpu.vector_load %arg11[%swap3A_131] {strides = array<i32>} : memref<128xi32, #tpu.memory_space<vmem>>, vector<16xi32>,
        tpu.vector_store %arg11[%swap3A_131], %broadcast_in_dim3A_0 {strides = array<i32>} : memref<128xi32, #tpu.memory_space<vmem>>, vector<16xi32>,
        %swap3A_133 = arith.constant 0 : index
        %swap3A_134 = tpu.vector_load %arg12[%swap3A_133] {strides = array<i32>} : memref<128xi32, #tpu.memory_space<vmem>>, vector<16xi32>,
        tpu.vector_store %arg12[%swap3A_133], %broadcast_in_dim3A_0 {strides = array<i32>} : memref<128xi32, #tpu.memory_space<vmem>>, vector<16xi32>,
        %swap3A_135 = arith.constant 0 : index
        %swap3A_136 = tpu.vector_load %arg13[%swap3A_135] {strides = array<i32>} : memref<128xf32, #tpu.memory_space<vmem>>, vector<16xf32>,
        tpu.vector_store %arg13[%swap3A_135], %broadcast_in_dim3A_2 {strides = array<i32>} : memref<128xf32, #tpu.memory_space<vmem>>, vector<16xf32>,
        %swap3A_137 = arith.constant 16 : index
        %swap3A_138 = tpu.vector_load %arg11[%swap3A_137] {strides = array<i32>} : memref<128xi32, #tpu.memory_space<vmem>>, vector<16xi32>,
        tpu.vector_store %arg11[%swap3A_137], %broadcast_in_dim3A_0 {strides = array<i32>} : memref<128xi32, #tpu.memory_space<vmem>>, vector<16xi32>,
        %swap3A_139 = arith.constant 16 : index
        %swap3A_140 = tpu.vector_load %arg12[%swap3A_139] {strides = array<i32>} : memref<128xi32, #tpu.memory_space<vmem>>, vector<16xi32>,
        tpu.vector_store %arg12[%swap3A_139], %broadcast_in_dim3A_0 {strides = array<i32>} : memref<128xi32, #tpu.memory_space<vmem>>, vector<16xi32>,
        %swap3A_141 = arith.constant 16 : index
        %swap3A_142 = tpu.vector_load %arg13[%swap3A_141] {strides = array<i32>} : memref<128xf32, #tpu.memory_space<vmem>>, vector<16xf32>,
        tpu.vector_store %arg13[%swap3A_141], %broadcast_in_dim3A_2 {strides = array<i32>} : memref<128xf32, #tpu.memory_space<vmem>>, vector<16xf32>,
        %swap3A_143 = arith.constant 32 : index
        %swap3A_144 = tpu.vector_load %arg11[%swap3A_143] {strides = array<i32>} : memref<128xi32, #tpu.memory_space<vmem>>, vector<16xi32>,
        tpu.vector_store %arg11[%swap3A_143], %broadcast_in_dim3A_0 {strides = array<i32>} : memref<128xi32, #tpu.memory_space<vmem>>, vector<16xi32>,
        %swap3A_145 = arith.constant 32 : index
        %swap3A_146 = tpu.vector_load %arg12[%swap3A_145] {strides = array<i32>} : memref<128xi32, #tpu.memory_space<vmem>>, vector<16xi32>,
        tpu.vector_store %arg12[%swap3A_145], %broadcast_in_dim3A_0 {strides = array<i32>} : memref<128xi32, #tpu.memory_space<vmem>>, vector<16xi32>,
        %swap3A_147 = arith.constant 32 : index
        %swap3A_148 = tpu.vector_load %arg13[%swap3A_147] {strides = array<i32>} : memref<128xf32, #tpu.memory_space<vmem>>, vector<16xf32>,
        tpu.vector_store %arg13[%swap3A_147], %broadcast_in_dim3A_2 {strides = array<i32>} : memref<128xf32, #tpu.memory_space<vmem>>, vector<16xf32>,
        %swap3A_149 = arith.constant 48 : index
        %swap3A_150 = tpu.vector_load %arg11[%swap3A_149] {strides = array<i32>} : memref<128xi32, #tpu.memory_space<vmem>>, vector<16xi32>,
        tpu.vector_store %arg11[%swap3A_149], %broadcast_in_dim3A_0 {strides = array<i32>} : memref<128xi32, #tpu.memory_space<vmem>>, vector<16xi32>,
        %swap3A_151 = arith.constant 48 : index
        %swap3A_152 = tpu.vector_load %arg12[%swap3A_151] {strides = array<i32>} : memref<128xi32, #tpu.memory_space<vmem>>, vector<16xi32>,
        tpu.vector_store %arg12[%swap3A_151], %broadcast_in_dim3A_0 {strides = array<i32>} : memref<128xi32, #tpu.memory_space<vmem>>, vector<16xi32>,
        %swap3A_153 = arith.constant 48 : index
        %swap3A_154 = tpu.vector_load %arg13[%swap3A_153] {strides = array<i32>} : memref<128xf32, #tpu.memory_space<vmem>>, vector<16xf32>,
        tpu.vector_store %arg13[%swap3A_153], %broadcast_in_dim3A_2 {strides = array<i32>} : memref<128xf32, #tpu.memory_space<vmem>>, vector<16xf32>,
        %swap3A_155 = arith.constant 64 : index
        %swap3A_156 = tpu.vector_load %arg11[%swap3A_155] {strides = array<i32>} : memref<128xi32, #tpu.memory_space<vmem>>, vector<16xi32>,
        tpu.vector_store %arg11[%swap3A_155], %broadcast_in_dim3A_0 {strides = array<i32>} : memref<128xi32, #tpu.memory_space<vmem>>, vector<16xi32>,
        %swap3A_157 = arith.constant 64 : index
        %swap3A_158 = tpu.vector_load %arg12[%swap3A_157] {strides = array<i32>} : memref<128xi32, #tpu.memory_space<vmem>>, vector<16xi32>,
        tpu.vector_store %arg12[%swap3A_157], %broadcast_in_dim3A_0 {strides = array<i32>} : memref<128xi32, #tpu.memory_space<vmem>>, vector<16xi32>,
        %swap3A_159 = arith.constant 64 : index
        %swap3A_160 = tpu.vector_load %arg13[%swap3A_159] {strides = array<i32>} : memref<128xf32, #tpu.memory_space<vmem>>, vector<16xf32>,
        tpu.vector_store %arg13[%swap3A_159], %broadcast_in_dim3A_2 {strides = array<i32>} : memref<128xf32, #tpu.memory_space<vmem>>, vector<16xf32>,
        %swap3A_161 = arith.constant 80 : index
        %swap3A_162 = tpu.vector_load %arg11[%swap3A_161] {strides = array<i32>} : memref<128xi32, #tpu.memory_space<vmem>>, vector<16xi32>,
        tpu.vector_store %arg11[%swap3A_161], %broadcast_in_dim3A_0 {strides = array<i32>} : memref<128xi32, #tpu.memory_space<vmem>>, vector<16xi32>,
        %swap3A_163 = arith.constant 80 : index
        %swap3A_164 = tpu.vector_load %arg12[%swap3A_163] {strides = array<i32>} : memref<128xi32, #tpu.memory_space<vmem>>, vector<16xi32>,
        tpu.vector_store %arg12[%swap3A_163], %broadcast_in_dim3A_0 {strides = array<i32>} : memref<128xi32, #tpu.memory_space<vmem>>, vector<16xi32>,
        %swap3A_165 = arith.constant 80 : index
        %swap3A_166 = tpu.vector_load %arg13[%swap3A_165] {strides = array<i32>} : memref<128xf32, #tpu.memory_space<vmem>>, vector<16xf32>,
        tpu.vector_store %arg13[%swap3A_165], %broadcast_in_dim3A_2 {strides = array<i32>} : memref<128xf32, #tpu.memory_space<vmem>>, vector<16xf32>,
        %swap3A_167 = arith.constant 96 : index
        %swap3A_168 = tpu.vector_load %arg11[%swap3A_167] {strides = array<i32>} : memref<128xi32, #tpu.memory_space<vmem>>, vector<16xi32>,
        tpu.vector_store %arg11[%swap3A_167], %broadcast_in_dim3A_0 {strides = array<i32>} : memref<128xi32, #tpu.memory_space<vmem>>, vector<16xi32>,
        %swap3A_169 = arith.constant 96 : index
        %swap3A_170 = tpu.vector_load %arg12[%swap3A_169] {strides = array<i32>} : memref<128xi32, #tpu.memory_space<vmem>>, vector<16xi32>,
        tpu.vector_store %arg12[%swap3A_169], %broadcast_in_dim3A_0 {strides = array<i32>} : memref<128xi32, #tpu.memory_space<vmem>>, vector<16xi32>,
        %swap3A_171 = arith.constant 96 : index
        %swap3A_172 = tpu.vector_load %arg13[%swap3A_171] {strides = array<i32>} : memref<128xf32, #tpu.memory_space<vmem>>, vector<16xf32>,
        tpu.vector_store %arg13[%swap3A_171], %broadcast_in_dim3A_2 {strides = array<i32>} : memref<128xf32, #tpu.memory_space<vmem>>, vector<16xf32>,
        %swap3A_173 = arith.constant 112 : index
        %swap3A_174 = tpu.vector_load %arg11[%swap3A_173] {strides = array<i32>} : memref<128xi32, #tpu.memory_space<vmem>>, vector<16xi32>,
        tpu.vector_store %arg11[%swap3A_173], %broadcast_in_dim3A_0 {strides = array<i32>} : memref<128xi32, #tpu.memory_space<vmem>>, vector<16xi32>,
        %swap3A_175 = arith.constant 112 : index
        %swap3A_176 = tpu.vector_load %arg12[%swap3A_175] {strides = array<i32>} : memref<128xi32, #tpu.memory_space<vmem>>, vector<16xi32>,
        tpu.vector_store %arg12[%swap3A_175], %broadcast_in_dim3A_0 {strides = array<i32>} : memref<128xi32, #tpu.memory_space<vmem>>, vector<16xi32>,
        %swap3A_177 = arith.constant 112 : index
        %swap3A_178 = tpu.vector_load %arg13[%swap3A_177] {strides = array<i32>} : memref<128xf32, #tpu.memory_space<vmem>>, vector<16xf32>,
        tpu.vector_store %arg13[%swap3A_177], %broadcast_in_dim3A_2 {strides = array<i32>} : memref<128xf32, #tpu.memory_space<vmem>>, vector<16xf32>,
      } else {
      }
      %barrier3A_104 = arith.constant 0 : index
      tpu.barrier barrier_id(%barrier3A_104)
      %eq3A = arith.constant 7 : i32
      %eq3A_105 = arith.cmpi eq, %add3A, %eq3A : i32
      %not3A = arith.constant true
      %not3A_106 = arith.xori %eq3A_105, %not3A : i1
      %convert_element_type3A_107 = arith.extui %not3A_106 : i1 to i32
      %cond3A_108 = arith.constant 0 : i32
      %cond3A_109 = arith.cmpi ne, %convert_element_type3A_107, %cond3A_108 : i32
      scf.if %cond3A_109 {
        %mul3A_121 = arith.constant 784 : i32
        %mul3A_122 = arith.muli %arg1, %mul3A_121 : i32
        %mul3A_123 = arith.constant 784 : i32
        %mul3A_124 = arith.muli %arg1, %mul3A_123 : i32
        %add3A_125 = arith.addi %mul3A_58, %mul3A_124 : i32
        "tpu.region"() ({
          %run_scoped3A = tpu.sem_alloc : memref<!tpu.dma_semaphore, #tpu.memory_space<semaphore_mem>>
          %dma_start3A = arith.constant 0 : i32
          %dma_start3A_126 = tpu.memref_slice %arg6[%add3A_125, %dma_start3A] : memref<100000x128xf32, #tpu.memory_space<hbm>> -> memref<784x128xf32, #tpu.memory_space<hbm>>
          %dma_start3A_127 = arith.constant 0 : i32
          %dma_start3A_128 = tpu.memref_slice %arg7[%mul3A_122, %dma_start3A_127] : memref<12544x128xf32, #tpu.memory_space<vmem_shared>> -> memref<784x128xf32, #tpu.memory_space<vmem_shared>>
          tpu.enqueue_dma source(%dma_start3A_128 : memref<784x128xf32, #tpu.memory_space<vmem_shared>>) target(%dma_start3A_126 : memref<784x128xf32, #tpu.memory_space<hbm>>) target_semaphore(%run_scoped3A : memref<!tpu.dma_semaphore, #tpu.memory_space<semaphore_mem>>)
          %dma_wait3A = arith.constant 0 : i32
          %dma_wait3A_129 = tpu.memref_slice %arg6[%add3A_125, %dma_wait3A] : memref<100000x128xf32, #tpu.memory_space<hbm>> -> memref<784x128xf32, #tpu.memory_space<hbm>>
          %dma_wait3A_130 = arith.constant 0 : i32
          %dma_wait3A_131 = tpu.memref_slice %arg7[%mul3A_122, %dma_wait3A_130] : memref<12544x128xf32, #tpu.memory_space<vmem_shared>> -> memref<784x128xf32, #tpu.memory_space<vmem_shared>>
          tpu.wait_dma2 semaphore(%run_scoped3A : memref<!tpu.dma_semaphore, #tpu.memory_space<semaphore_mem>>) src(%dma_wait3A_131 : memref<784x128xf32, #tpu.memory_space<vmem_shared>>) dst(%dma_wait3A_129 : memref<784x128xf32, #tpu.memory_space<hbm>>)
          tpu.yield
        }) : () -> ()
      } else {
      }
      %lt3A = arith.constant 15 : i32
      %lt3A_110 = arith.cmpi slt, %arg1, %lt3A : i32
      %and3A = arith.andi %eq3A_105, %lt3A_110 : i1
      %convert_element_type3A_111 = arith.extui %and3A : i1 to i32
      %cond3A_112 = arith.constant 0 : i32
      %cond3A_113 = arith.cmpi ne, %convert_element_type3A_111, %cond3A_112 : i32
      scf.if %cond3A_113 {
        %mul3A_121 = arith.constant 768 : i32
        %mul3A_122 = arith.muli %arg1, %mul3A_121 : i32
        %mul3A_123 = arith.constant 768 : i32
        %mul3A_124 = arith.muli %arg1, %mul3A_123 : i32
        %add3A_125 = arith.addi %mul3A_58, %mul3A_124 : i32
        "tpu.region"() ({
          %run_scoped3A = tpu.sem_alloc : memref<!tpu.dma_semaphore, #tpu.memory_space<semaphore_mem>>
          %dma_start3A = arith.constant 0 : i32
          %dma_start3A_126 = tpu.memref_slice %arg6[%add3A_125, %dma_start3A] : memref<100000x128xf32, #tpu.memory_space<hbm>> -> memref<768x128xf32, #tpu.memory_space<hbm>>
          %dma_start3A_127 = arith.constant 0 : i32
          %dma_start3A_128 = tpu.memref_slice %arg7[%mul3A_122, %dma_start3A_127] : memref<12544x128xf32, #tpu.memory_space<vmem_shared>> -> memref<768x128xf32, #tpu.memory_space<vmem_shared>>
          tpu.enqueue_dma source(%dma_start3A_128 : memref<768x128xf32, #tpu.memory_space<vmem_shared>>) target(%dma_start3A_126 : memref<768x128xf32, #tpu.memory_space<hbm>>) target_semaphore(%run_scoped3A : memref<!tpu.dma_semaphore, #tpu.memory_space<semaphore_mem>>)
          %dma_wait3A = arith.constant 0 : i32
          %dma_wait3A_129 = tpu.memref_slice %arg6[%add3A_125, %dma_wait3A] : memref<100000x128xf32, #tpu.memory_space<hbm>> -> memref<768x128xf32, #tpu.memory_space<hbm>>
          %dma_wait3A_130 = arith.constant 0 : i32
          %dma_wait3A_131 = tpu.memref_slice %arg7[%mul3A_122, %dma_wait3A_130] : memref<12544x128xf32, #tpu.memory_space<vmem_shared>> -> memref<768x128xf32, #tpu.memory_space<vmem_shared>>
          tpu.wait_dma2 semaphore(%run_scoped3A : memref<!tpu.dma_semaphore, #tpu.memory_space<semaphore_mem>>) src(%dma_wait3A_131 : memref<768x128xf32, #tpu.memory_space<vmem_shared>>) dst(%dma_wait3A_129 : memref<768x128xf32, #tpu.memory_space<hbm>>)
          tpu.yield
        }) : () -> ()
      } else {
      }
      %eq3A_114 = arith.constant 15 : i32
      %eq3A_115 = arith.cmpi eq, %arg1, %eq3A_114 : i32
      %and3A_116 = arith.andi %eq3A_105, %eq3A_115 : i1
      %convert_element_type3A_117 = arith.extui %and3A_116 : i1 to i32
      %cond3A_118 = arith.constant 0 : i32
      %cond3A_119 = arith.cmpi ne, %convert_element_type3A_117, %cond3A_118 : i32
      scf.if %cond3A_119 {
        %add3A_121 = arith.constant 11520 : i32
        %add3A_122 = arith.addi %mul3A_58, %add3A_121 : i32
        "tpu.region"() ({
          %run_scoped3A = tpu.sem_alloc : memref<!tpu.dma_semaphore, #tpu.memory_space<semaphore_mem>>
          %dma_start3A = arith.constant 0 : i32
          %dma_start3A_123 = tpu.memref_slice %arg6[%add3A_122, %dma_start3A] : memref<100000x128xf32, #tpu.memory_space<hbm>> -> memref<672x128xf32, #tpu.memory_space<hbm>>
          %dma_start3A_124 = arith.constant 11520 : i32
          %dma_start3A_125 = arith.constant 0 : i32
          %dma_start3A_126 = tpu.memref_slice %arg7[%dma_start3A_124, %dma_start3A_125] : memref<12544x128xf32, #tpu.memory_space<vmem_shared>> -> memref<672x128xf32, #tpu.memory_space<vmem_shared>>
          tpu.enqueue_dma source(%dma_start3A_126 : memref<672x128xf32, #tpu.memory_space<vmem_shared>>) target(%dma_start3A_123 : memref<672x128xf32, #tpu.memory_space<hbm>>) target_semaphore(%run_scoped3A : memref<!tpu.dma_semaphore, #tpu.memory_space<semaphore_mem>>)
          %dma_wait3A = arith.constant 0 : i32
          %dma_wait3A_127 = tpu.memref_slice %arg6[%add3A_122, %dma_wait3A] : memref<100000x128xf32, #tpu.memory_space<hbm>> -> memref<672x128xf32, #tpu.memory_space<hbm>>
          %dma_wait3A_128 = arith.constant 11520 : i32
          %dma_wait3A_129 = arith.constant 0 : i32
          %dma_wait3A_130 = tpu.memref_slice %arg7[%dma_wait3A_128, %dma_wait3A_129] : memref<12544x128xf32, #tpu.memory_space<vmem_shared>> -> memref<672x128xf32, #tpu.memory_space<vmem_shared>>
          tpu.wait_dma2 semaphore(%run_scoped3A : memref<!tpu.dma_semaphore, #tpu.memory_space<semaphore_mem>>) src(%dma_wait3A_130 : memref<672x128xf32, #tpu.memory_space<vmem_shared>>) dst(%dma_wait3A_127 : memref<672x128xf32, #tpu.memory_space<hbm>>)
          tpu.yield
        }) : () -> ()
      } else {
      }
      %barrier3A_120 = arith.constant 0 : index
      tpu.barrier barrier_id(%barrier3A_120)
    }
    %scan3A_54 = arith.constant 4 : i32
    return
  }
}

module attributes {stable_mosaic.version = 14 : i64} {
  func.func @body(%arg0: i32, %arg1: memref<2000x128xf32, #tpu.memory_space<vmem>>, %arg2: memref<2000x128xf32, #tpu.memory_space<vmem>>, %arg3: memref<128x128xf32, #tpu.memory_space<vmem>>, %arg4: memref<128x128xf32, #tpu.memory_space<vmem>>, %arg5: memref<1x128xf32, #tpu.memory_space<vmem>>, %arg6: memref<2000x128xf32, #tpu.memory_space<vmem>>) attributes {dimension_semantics = [#tpu.dimension_semantics<arbitrary>], iteration_bounds = array<i64: 50>, scalar_prefetch = 0 : i64, scratch_operands = 0 : i64, tpu.core_type = #tpu.core_type<tc>, window_params = [{transform_indices = @transform_0, window_bounds = array<i64: 2000, 128>}, {transform_indices = @transform_1, window_bounds = array<i64: 2000, 128>}, {pipeline_mode = #tpu.pipeline_mode<synchronous>, transform_indices = @transform_2, window_bounds = array<i64: 128, 128>}, {pipeline_mode = #tpu.pipeline_mode<synchronous>, transform_indices = @transform_3, window_bounds = array<i64: 128, 128>}, {pipeline_mode = #tpu.pipeline_mode<synchronous>, transform_indices = @transform_4, window_bounds = array<i64: 1, 128>}, {transform_indices = @transform_5, window_bounds = array<i64: 2000, 128>}]} {
    %get3A = arith.constant 0 : index
    %get3A_0 = arith.constant 0 : index
    %get3A_1 = vector.load %arg1[%get3A, %get3A_0] : memref<2000x128xf32, #tpu.memory_space<vmem>>, vector<2000x128xf32>
    %get3A_2 = arith.constant 0 : index
    %get3A_3 = arith.constant 0 : index
    %get3A_4 = vector.load %arg3[%get3A_2, %get3A_3] : memref<128x128xf32, #tpu.memory_space<vmem>>, vector<128x128xf32>
    %dot_general3A = arith.constant dense<0.000000e+00> : vector<2000x128xf32>
    %dot_general3A_5 = tpu.matmul %get3A_1, %get3A_4, %dot_general3A {dimension_numbers = #tpu.dot_dimension_numbers<[1], [1], [0], [0], [0, 0, 1, 0], [], []>, transpose_lhs_hint = false} : vector<2000x128xf32>, vector<128x128xf32>, vector<2000x128xf32> -> vector<2000x128xf32>
    %get3A_6 = arith.constant 0 : index
    %get3A_7 = arith.constant 0 : index
    %get3A_8 = vector.load %arg2[%get3A_6, %get3A_7] : memref<2000x128xf32, #tpu.memory_space<vmem>>, vector<2000x128xf32>
    %get3A_9 = arith.constant 0 : index
    %get3A_10 = arith.constant 0 : index
    %get3A_11 = vector.load %arg4[%get3A_9, %get3A_10] : memref<128x128xf32, #tpu.memory_space<vmem>>, vector<128x128xf32>
    %dot_general3A_12 = arith.constant dense<0.000000e+00> : vector<2000x128xf32>
    %dot_general3A_13 = tpu.matmul %get3A_8, %get3A_11, %dot_general3A_12 {dimension_numbers = #tpu.dot_dimension_numbers<[1], [1], [0], [0], [0, 0, 1, 0], [], []>, transpose_lhs_hint = false} : vector<2000x128xf32>, vector<128x128xf32>, vector<2000x128xf32> -> vector<2000x128xf32>
    %add3A = arith.addf %dot_general3A_5, %dot_general3A_13 : vector<2000x128xf32>
    %get3A_14 = arith.constant 0 : index
    %get3A_15 = arith.constant 0 : index
    %get3A_16 = vector.load %arg5[%get3A_14, %get3A_15] : memref<1x128xf32, #tpu.memory_space<vmem>>, vector<1x128xf32>
    %add3A_17 = vector.broadcast %get3A_16 : vector<1x128xf32> to vector<2000x128xf32>
    %add3A_18 = arith.addf %add3A, %add3A_17 : vector<2000x128xf32>
    %swap3A = arith.constant 0 : index
    %swap3A_19 = arith.constant 0 : index
    %swap3A_20 = vector.load %arg6[%swap3A, %swap3A_19] : memref<2000x128xf32, #tpu.memory_space<vmem>>, vector<2000x128xf32>
    tpu.vector_store %arg6[%swap3A, %swap3A_19], %add3A_18 {strides = array<i32>} : memref<2000x128xf32, #tpu.memory_space<vmem>>, vector<2000x128xf32>,
    return
  }
  func.func @transform_0(%arg0: i32) -> (i32, i32) {
    %c0_i32 = arith.constant 0 : i32
    %c0_i32_0 = arith.constant 0 : i32
    return %arg0, %c0_i32 : i32, i32
  }
  func.func @transform_1(%arg0: i32) -> (i32, i32) {
    %c0_i32 = arith.constant 0 : i32
    %c0_i32_0 = arith.constant 0 : i32
    return %arg0, %c0_i32 : i32, i32
  }
  func.func @transform_2(%arg0: i32) -> (i32, i32) {
    %c0_i32 = arith.constant 0 : i32
    %c0_i32_0 = arith.constant 0 : i32
    %c0_i32_1 = arith.constant 0 : i32
    return %c0_i32, %c0_i32_0 : i32, i32
  }
  func.func @transform_3(%arg0: i32) -> (i32, i32) {
    %c0_i32 = arith.constant 0 : i32
    %c0_i32_0 = arith.constant 0 : i32
    %c0_i32_1 = arith.constant 0 : i32
    return %c0_i32, %c0_i32_0 : i32, i32
  }
  func.func @transform_4(%arg0: i32) -> (i32, i32) {
    %c0_i32 = arith.constant 0 : i32
    %c0_i32_0 = arith.constant 0 : i32
    %c0_i32_1 = arith.constant 0 : i32
    return %c0_i32, %c0_i32_0 : i32, i32
  }
  func.func @transform_5(%arg0: i32) -> (i32, i32) {
    %c0_i32 = arith.constant 0 : i32
    %c0_i32_0 = arith.constant 0 : i32
    return %arg0, %c0_i32 : i32, i32
  }
}

</mosaic_0001>

<sc_bundles>
// kernel: kernel.4.cloned.1.call-start
scs
__scs_entry_jumppad:
0x0: {  	(pc) =	sbr.rel $0x88, $3  }
0x1: {  	(tag) =	ssettag $0x0;
	lr =	simm.s32 $0x1  }
0x2: {  	[smem:$0x3F9A] =	sst lr;
	_ =	strace $0xD0000000  }
0x3: {  	_ = 	snop  }
0x4: {  	_ = 	snop  }
0x5: {  	_ = 	snop  }
0x6: {  	_ = 	snop  }
0x7: {  	_ = 	snop  }
__scs_overlays_trampoline_lowered:
0x8: {  	[smem:$0x3FA9] =	sst s0  }
0x9: {  	[smem:$0x3FAA] =	sst s1  }
0xa: {  	[smem:$0x3FAB] =	sst s2  }
0xb: {  	[smem:$0x3FAC] =	sst s3  }
0xc: {  	[smem:$0x3FAD] =	sst s4  }
0xd: {  	[smem:$0x3FAE] =	sst s5  }
0xe: {  	[smem:$0x3FAF] =	sst s6  }
0xf: {  	[smem:$0x3FB0] =	sst s7  }
0x10: {  	[smem:$0x3FB1] =	sst s8  }
0x11: {  	[smem:$0x3FB2] =	sst s9;
	s0 =	simm.s32 @!p0 $0x0  }
0x12: {  	s1 =	sld [smem:$0x3F98];
	s0 =	simm.s32 @p0 $0x1  }
0x13: {  	[smem:$0x3FB3] =	sst s0;
	s0 =	simm.s32 @!p1 $0x0  }
0x14: {  	s2 =	sld [smem:$0x3F97];
	s0 =	simm.s32 @p1 $0x1  }
0x15: {  	[smem:$0x3FB4] =	sst s0;
	s0 =	simm.s32 @!p2 $0x0  }
0x16: {  	s3 =	sld [smem:$0x3FDB];
	s0 =	simm.s32 @p2 $0x1  }
0x17: {  	s4 =	simm.s32 $0x1BF5;
	[smem:$0x3FB6] =	sst s0  }
0x18: {  	s0 =	sld [smem:$0x3F99];
	_ =	swait.ge [sflag:s4], $0x0  }
0x19: {  	s7 =	sld [smem:$0x3F9A]  }
0x1a: {  	s8 =	sadd.s32 $0xFFFFE003, lr  }
0x1b: {  	s9 =	sadd.s32 $0xFFFFFEF7, lr;
	s5 =	simm.s32 $0xFFFFFFFF;
	p2 =	slt.u32 s8, $0xFFFFF086  }
0x1c: {  	p1 =	slt.u32 s9, $0xF7A;
	s5 =	simm.s32 @!p2 $0x0  }
0x1d: {  	s5 =	simm.s32 @p1 $0x1;
	p0 =	seq.s32 s7, s2  }
0x1e: {  	s7 =	smul.u32 @!p0 $0xF7A, s2;
	p2 =	seq.s32 @!p0 s5, $0x0  }
0x1f: {  	s9 =	smul.u32 $0xF7A, s1;
	s8 =	simm.s32 @!p0 $0x1BF5;
	p2 =	por !p2, p0  }
0x20: {  	[sflag:s8] =	ssyncset.s32 @!p0 $0xFFFFF086;
	s6 =	sadd.s32 @!p0 s3, s7;
	s7 =	simm.s32 @!p0 $0x108  }
0x21: {  	s3 =	sadd.s32 s3, s9;
	s6 =	sadd.s32 @!p0 $0x88, s6;
	s7 =	simm.s32 @p2 $0x1082  }
0x22: {  	[simem:s7], [sflag:s8] =	dma.local @!p0 [hbm:s6], $0xF7A  }
0x23: {  	s9 =	sor.u32 $0xD0000000, s2;
	s6 =	simm.s32 $0x108;
	_ =	swait.ge @!p0 [sflag:s8], $0x0  }
0x24: {  	s3 =	sadd.s32 $0x88, s3;
	s6 =	simm.s32 @!p1 $0x1082;
	[sflag:s4] =	ssyncset.s32 $0xFFFFF086  }
0x25: {  	[simem:s6], [sflag:s4] =	dma.local [hbm:s3], $0xF7A  }
0x26: {  	[smem:$0x3F9A] =	sst s1;
	(tag) =	ssettag s2;
	_ =	strace s9  }
0x27: {  	s1 =	sld [smem:$0x3FAA]  }
0x28: {  	s2 =	sld [smem:$0x3FAB]  }
0x29: {  	s4 =	sld [smem:$0x3FAD]  }
0x2a: {  	p0 =	seq.s32 s5, $0x0;
	s5 =	sld [smem:$0x3FAE]  }
0x2b: {  	s6 =	sld [smem:$0x3FAF]  }
0x2c: {  	s7 =	sld [smem:$0x3FB0]  }
0x2d: {  	s3 =	simm.s32 $0x108;
	s8 =	sld [smem:$0x3FB1]  }
0x2e: {  	s3 =	simm.s32 @!p0 $0x1082;
	s9 =	sld [smem:$0x3FB2]  }
0x2f: {  	lr =	sadd.s32 s0, s3;
	s0 =	sld [smem:$0x3FA9]  }
0x30: {  	s3 =	sld [smem:$0x3FAC]  }
0x31: {  	[smem:$0x3FB5] =	sst s10  }
0x32: {  	s10 =	sld [smem:$0x3FB3];
	_ =	sdelay $0x3  }
0x33: {  	p0 =	seq.s32 s10, $0x1;
	s10 =	sld [smem:$0x3FB5];
	_ =	sdelay $0x3  }
0x34: {  	[smem:$0x3FB5] =	sst s10  }
0x35: {  	s10 =	sld [smem:$0x3FB4];
	_ =	sdelay $0x3  }
0x36: {  	p1 =	seq.s32 s10, $0x1;
	s10 =	sld [smem:$0x3FB5];
	_ =	sdelay $0x3  }
0x37: {  	[smem:$0x3FB5] =	sst s10  }
0x38: {  	s10 =	sld [smem:$0x3FB6]  }
0x39: {  	_ = 	snop;
	(pc) =	sbr.ind lr, $3  }
0x3a: {  	_ = 	snop  }
0x3b: {  	_ = 	snop  }
0x3c: {  	p2 =	seq.s32 s10, $0x1;
	s10 =	sld [smem:$0x3FB5]  }
0x3d: {  	_ =	shalt  }
0x3e: {  	_ =	shalt  }
0x3f: {  	_ =	shalt  }
0x40: {  	_ =	shalt  }
0x41: {  	_ =	shalt  }
0x42: {  	_ =	shalt  }
0x43: {  	_ =	shalt  }
0x44: {  	_ =	shalt  }
0x45: {  	_ =	shalt  }
0x46: {  	_ =	shalt  }
0x47: {  	_ =	shalt  }
0x48: {  	_ =	shalt  }
0x49: {  	_ =	shalt  }
0x4a: {  	_ =	shalt  }
0x4b: {  	_ =	shalt  }
0x4c: {  	_ =	shalt  }
0x4d: {  	_ =	shalt  }
0x4e: {  	_ =	shalt  }
0x4f: {  	_ =	shalt  }
0x50: {  	_ =	shalt  }
0x51: {  	_ =	shalt  }
0x52: {  	_ =	shalt  }
0x53: {  	_ =	shalt  }
0x54: {  	_ =	shalt  }
0x55: {  	_ =	shalt  }
0x56: {  	_ =	shalt  }
0x57: {  	_ =	shalt  }
0x58: {  	_ =	shalt  }
0x59: {  	_ =	shalt  }
0x5a: {  	_ =	shalt  }
0x5b: {  	_ =	shalt  }
0x5c: {  	_ =	shalt  }
0x5d: {  	_ =	shalt  }
0x5e: {  	_ =	shalt  }
0x5f: {  	_ =	shalt  }
0x60: {  	_ =	shalt  }
0x61: {  	_ =	shalt  }
0x62: {  	_ =	shalt  }
0x63: {  	_ =	shalt  }
0x64: {  	_ =	shalt  }
0x65: {  	_ =	shalt  }
0x66: {  	_ =	shalt  }
0x67: {  	_ =	shalt  }
0x68: {  	_ =	shalt  }
0x69: {  	_ =	shalt  }
0x6a: {  	_ =	shalt  }
0x6b: {  	_ =	shalt  }
0x6c: {  	_ =	shalt  }
0x6d: {  	_ =	shalt  }
0x6e: {  	_ =	shalt  }
0x6f: {  	_ =	shalt  }
0x70: {  	_ =	shalt  }
0x71: {  	_ =	shalt  }
0x72: {  	_ =	shalt  }
0x73: {  	_ =	shalt  }
0x74: {  	_ =	shalt  }
0x75: {  	_ =	shalt  }
0x76: {  	_ =	shalt  }
0x77: {  	_ =	shalt  }
0x78: {  	_ =	shalt  }
0x79: {  	_ =	shalt  }
0x7a: {  	_ =	shalt  }
0x7b: {  	_ =	shalt  }
0x7c: {  	_ =	shalt  }
0x7d: {  	_ =	shalt  }
0x7e: {  	_ =	shalt  }
0x7f: {  	_ =	shalt  }
0x80: {  	_ =	shalt  }
0x81: {  	_ =	shalt  }
0x82: {  	_ =	shalt  }
0x83: {  	_ =	shalt  }
0x84: {  	_ =	shalt  }
0x85: {  	_ =	shalt  }
0x86: {  	_ =	shalt  }
0x87: {  	_ =	shalt  }
.Lfunc_end0:
.L_simem_size_0:
called_computation_lowered:
.L_overlay_start_0:
0x88: {  	s2 =	sld [smem:$0x3FD9]  }
0x89: {  	s3 =	sld [smem:$0x3FFE];
	_ =	sdelay $0x1  }
0x8a: {  	s1 =	srdreg.scid  }
0x8b: {  	s0 =	sand.u32 $0x1, s1  }
0x8c: {  	s17 =	sshll.u32 s0, $0xA;
	s2 =	sadd.s32 s3, s2  }
0x8d: {  	s2 =	sadd.s32 s2, s17  }
0x8e: {  	[smem:$0x3FC1] =	sst s2  }
0x8f: {  	_ = 	snop  }
0x90: {  	s2 =	sld [smem:$0x3FC8]  }
0x91: {  	s18 =	sld [smem:$0x3FC7]  }
0x92: {  	s4 =	sld [smem:$0x3FD0];
	(tm) =	ssettm $0x1  }
0x93: {  	s5 =	sld [smem:$0x3FFB];
	_ =	sdelay $0x3  }
0x94: {  	_ =	strace s5  }
0x95: {  	s5 =	sld [smem:$0x3FFC];
	_ =	sdelay $0x3  }
0x96: {  	_ =	strace s5  }
0x97: {  	s5 =	sld [smem:$0x3FFD];
	_ =	sdelay $0x3  }
0x98: {  	_ =	strace s5  }
0x99: {  	_ =	strace $0x8FFFFFFF  }
0x9a: {  	s19 =	sld [smem:$0x3FDB];
	_ =	sdelay $0x1  }
0x9b: {  	s6 =	simm.s32 $_scs_section_size  }
0x9c: {  	s7 =	simm.s32 $_size__tile_overlayer_lowered;
	s8 =	simm.s32 $_tile_overlayer_lowered  }
0x9d: {  	s22 =	simm.s32 $0x1BFF;
	s21 =	sshll.u32 s8, $0x1;
	s5 =	sadd.s32 s6, s19  }
0x9e: {  	s9 =	simm.s32 $0x0;
	s20 =	sshll.u32 s7, $0x1;
	s7 =	sadd.s32 s21, s5  }
0x9f: {  	[timem:s9], [sflag:s22] =	dma.local [hbm:s7], s20  }
0xa0: {  	_ =	swait.ge [sflag:s22], s20  }
0xa1: {  	s6 =	ssub.s32 $0x0, s20;
	[sflag:s22] =	ssyncset.done $0x0  }
0xa2: {  	[sflag:s22] =	ssyncadd.s32 s6;
	_ =	sdelay $0x1  }
0xa3: {  	s23 =	simm.s32 $0x1B8B  }
0xa4: {  	_ =	swait.ge [sflag:s23], $0x1  }
0xa5: {  	[sflag:s23] =	ssyncset.done $0x0  }
0xa6: {  	s25 =	simm.s32 $0x1B8E;
	s24 =	sld [smem:$0x3FFE];
	[sflag:s23] =	ssyncadd.s32 $0xFFFFFFFF  }
0xa7: {  	s26 =	simm.s32 $execute0_lowered;
	[smem:$0x3FD2] =	sst s25  }
0xa8: {  	s7 =	sshll.u32 s26, $0x1;
	_ =	strace $0x80000046;
	[dreg:$0x1] =	wrdreg $0xFFFFFFFF  }
0xa9: {  	s28 =	simm.s32 $_size_execute0_lowered;
	s5 =	sadd.s32 s5, s7;
	[dreg:$0x0] =	wrdreg $0x0  }
0xaa: {  	s7 =	sshll.u32 s28, $0x1;
	[dreg:$0x2] =	wrdreg s5  }
0xab: {  	[dreg:$0x3] =	wrdreg s7  }
0xac: {  	[dreg:$0x4] =	wrdreg $0xC0  }
0xad: {  	_ =	task [dreg:s9], $0x5FFFF  }
0xae: {  	[dreg:$0x1] =	wrdreg $0xFFFFFFFF  }
0xaf: {  	[dreg:$0x0] =	wrdreg $0x60  }
0xb0: {  	[dreg:$0x2] =	wrdreg s24  }
0xb1: {  	[dreg:$0x3] =	wrdreg s4  }
0xb2: {  	[dreg:$0x4] =	wrdreg s2  }
0xb3: {  	[dreg:$0x5] =	wrdreg s18  }
0xb4: {  	[dreg:$0x6] =	wrdreg $0x0  }
0xb5: {  	[dreg:$0x7] =	wrdreg $0x9  }
0xb6: {  	_ =	task.clear_ibuf [dreg:s9], $0x8FFFF;
	_ =	strace $0x90000046  }
0xb7: {  	s29 =	simm.s32 $0x9;
	_ =	strace $0x80000048  }
0xb8: {  	_ =	swait.ge [sflag:s29], $0x1  }
0xb9: {  	[sflag:s29] =	ssyncadd.s32 $0xFFFFFFFF  }
0xba: {  	_ =	strace $0x90000048  }
0xbb: {  	_ =	sfence  }
0xbc: {  	s30 =	sld [smem:$0x0];
	_ =	sdelay $0x2  }
0xbd: {  	s31 =	sshll.u32 s1, $0xD;
	s1 =	sshrl.u32 s1, $0x2  }
0xbe: {  	s3 =	sand.u32 $0x4000, s31;
	s1 =	sadd.s32 s1, s30  }
0xbf: {  	s0 =	sor.u32 s3, s0;
	s1 =	sshll.u32 s1, $0x11  }
0xc0: {  	s0 =	sor.u32 s1, s0  }
0xc1: {  	s0 =	sadd.s32 $0x8F2B, s0  }
0xc2: {  	[sflag:s0] =	ssyncadd.remote.s32 $0x1  }
0xc3: {  	_ =	sfence.sel $0xFFFF  }
0xc4: {  	[dreg:$0x0] =	wrdreg $0xFFFFFFFF;
	(pc) =	sbr.abs _section_cstart, $3  }
0xc5: {  	[dreg:$0x1] =	wrdreg $0xFFFFFFFF  }
0xc6: {  	_ =	task.clear_ibuf [dreg:s9], $0x2FFFF;
	_ =	strace $0x9FFFFFFF  }
0xc7: {  	(tm) =	ssettm $0x7FFFFFFF  }
tec
execute0_lowered:
.L_overlay_start_1:
0x0: {  	(tag) =	ssettag $0x1  }
0x1: {  	s0 =	rddreg [dreg:$0x0]  }
0x2: {  	s1 =	rddreg [dreg:$0x1]  }
0x3: {  	s2 =	rddreg [dreg:$0x2]  }
0x4: {  	s3 =	rddreg [dreg:$0x3]  }
0x5: {  	s5 =	rddreg [dreg:$0x4];
	s10 =	simm.s32 $0x0  }
0x6: {  	s6 =	srdreg.scid;
	s4 =	stileid.u32;
	s28 =	simm.s32 $0x19000  }
0x7: {  	s29 =	simm.s32 $0x19800;
	s30 =	simm.s32 $0x80;
	s18 =	smul.u32 $0x62000, s4  }
0x8: {  	s31 =	simm.s32 $0x1A000;
	[smem:$0x7FF] =	sst s10;
	s19 =	smul.u32 $0x310, s4  }
0x9: {  	s7 =	sand.u32 $0x1, s6;
	s8 =	sadd.s32 $0x400, s0;
	s21 =	smul.u32 $0x18000, s4  }
0xa: {  	s12 =	sadd.s32 $0x31200, s0;
	s24 =	smul.u32 $0x60000, s4;
	s6 =	sshrl.u32 s18, $0x2  }
0xb: {  	_ =	strace $0x80000047;
	[dreg:$0x7] =	wrdreg s7;
	s11 =	sadd.s32 s6, s5  }
0xc: {  	s7 =	ssub.s32 $0x2, s7;
	[dreg:$0x8] =	wrdreg s19;
	s6 =	sadd.s32 $0x3800, s11  }
0xd: {  	s9 =	sshrl.u32 s7, $0x1;
	s20 =	sadd.s32 $0x7000, s11;
	[dreg:$0x9] =	wrdreg s6  }
0xe: {  	s18 =	smul.u32 $0x186A0, s4;
	s22 =	sadd.s32 $0xA800, s11;
	[dreg:$0xa] =	wrdreg s20  }
0xf: {  	s7 =	ssub.s32 s7, s9;
	s23 =	sadd.s32 $0xE000, s11;
	[dreg:$0xb] =	wrdreg s22  }
0x10: {  	s9 =	sshrl.u32 s24, $0x2;
	s13 =	sadd.s32 $0x11800, s11;
	[dreg:$0xc] =	wrdreg s23  }
0x11: {  	s24 =	simm.s32 $0x1A180;
	s25 =	sadd.s32 $0x15000, s11;
	[dreg:$0xd] =	wrdreg s13  }
0x12: {  	s9 =	sadd.s32 s9, s5;
	s26 =	smax.u32 s7, $0x1;
	[dreg:$0xe] =	wrdreg s25  }
.Ltmp0:
0x13: {  	s6 =	sshrl.u32 s21, $0x3;
	s20 =	smov.u32 s12;
	(pc) =	sbr.rel .LBB2_1-.Ltmp0, $4  }
0x14: {  	[dreg:$0xf] =	wrdreg s9;
	s21 =	sadd.s32 $0x168000, s5;
	s22 =	sadd.s32 $0x1B5200, s0  }
0x15: {  	[dreg:$0x11] =	wrdreg s26;
	s25 =	simm.s32 $0x2;
	s6 =	sadd.s32 s12, s6  }
0x16: {  	s26 =	simm.s32 $0x18800;
	s0 =	simm.s32 $0x1;
	s6 =	sadd.s32 $0x157000, s6  }
0x17: {  	v0 =	vimm.s32 $0x0;
	v1 =	vimm.f32 $0.0e+00;
	s23 =	simm.s32 $0x1A100;
	[dreg:$0x10] =	wrdreg s6;
	s6 =	simm.s32 $0x1A080  }
.LBB2_17:
0x18: {  	s10 =	rddreg [dreg:$0x6]  }
0x19: {  	s7 =	rddreg [dreg:$0x11];
	s10 =	sadd.s32 $0x1, s10  }
0x1a: {  	p0 =	sne.s32 s10, s7  }
.Ltmp1:
0x1b: {  	_ = 	snop;
	(pc) =	sbr.rel @!p0 .LBB2_18-.Ltmp1, $1  }
0x1c: {  	_ =	sdelay $0x3  }
.LBB2_1:
0x1d: {  	[tilespmem:$0x1A000] =	vst v0  }
0x1e: {  	[tilespmem:$0x1A080] =	vst v0  }
0x1f: {  	[tilespmem:$0x1A100] =	vst v1  }
0x20: {  	[tilespmem:$0x1A010] =	vst v0  }
0x21: {  	[tilespmem:$0x1A090] =	vst v0  }
0x22: {  	[tilespmem:$0x1A110] =	vst v1  }
0x23: {  	[tilespmem:$0x1A020] =	vst v0  }
0x24: {  	[tilespmem:$0x1A0A0] =	vst v0  }
0x25: {  	[tilespmem:$0x1A120] =	vst v1  }
0x26: {  	[tilespmem:$0x1A030] =	vst v0  }
0x27: {  	[tilespmem:$0x1A0B0] =	vst v0  }
0x28: {  	[tilespmem:$0x1A130] =	vst v1  }
0x29: {  	[tilespmem:$0x1A040] =	vst v0  }
0x2a: {  	[tilespmem:$0x1A0C0] =	vst v0  }
0x2b: {  	[tilespmem:$0x1A140] =	vst v1  }
0x2c: {  	[tilespmem:$0x1A050] =	vst v0  }
0x2d: {  	[tilespmem:$0x1A0D0] =	vst v0  }
0x2e: {  	[tilespmem:$0x1A150] =	vst v1  }
0x2f: {  	[tilespmem:$0x1A060] =	vst v0  }
.Ltmp2:
0x30: {  	[tilespmem:$0x1A0E0] =	vst v0;
	(pc) =	sbr.rel .LBB2_2-.Ltmp2, $4  }
0x31: {  	[tilespmem:$0x1A160] =	vst v1  }
0x32: {  	[tilespmem:$0x1A070] =	vst v0  }
0x33: {  	[tilespmem:$0x1A0F0] =	vst v0  }
0x34: {  	[dreg:$0x6] =	wrdreg s10;
	[tilespmem:$0x1A170] =	vst v1;
	s7 =	simm.s32 $0x0  }
.LBB2_16:
0x35: {  	p0 =	seq.s32 s10, $0x7  }
0x36: {  	p1 =	seq.s32 @p0 s4, $0xF  }
0x37: {  	p2 =	por !p1, !p0  }
0x38: {  	[bflag:$0x0] =	sbarrier.arrive $0xFFFF;
	s10 =	sshrl.u32 @!p2 s21, $0x3;
	s12 =	simm.s32 @!p2 $0x1FC2  }
0x39: {  	[hbm:s22], [sflag:s12] =	dma.local @!p2 [spmem:s10], $0x2A00  }
0x3a: {  	s10 =	simm.s32 @!p2 $0x2  }
0x3b: {  	p1 =	por p1, !p0;
	_ =	swait.ge @!p2 [sflag:s10], $0x2A00  }
0x3c: {  	s12 =	sshll.u32 @!p1 s4, $0x6;
	[sflag:s10] =	ssyncset.done @!p2 $0x0  }
0x3d: {  	[sflag:s10] =	ssyncadd.s32 @!p2 $0xFFFFD600;
	s10 =	sor.u32 @!p1 $0x1C02, s12;
	s12 =	rddreg [dreg:$0xf]  }
0x3e: {  	s13 =	rddreg [dreg:$0x10];
	s12 =	sshrl.u32 @!p1 s12, $0x3  }
0x3f: {  	[hbm:s13], [sflag:s10] =	dma.local @!p1 [spmem:s12], $0x3000  }
0x40: {  	s10 =	simm.s32 @!p1 $0x2  }
0x41: {  	_ =	swait.ge @!p1 [sflag:s10], $0x3000  }
0x42: {  	s12 =	rddreg [dreg:$0x8]  }
0x43: {  	[sflag:s10] =	ssyncset.done @!p1 $0x0;
	s9 =	sadd.s32 @!p0 s12, s9  }
0x44: {  	[sflag:s10] =	ssyncadd.s32 @!p1 $0xFFFFD000;
	s10 =	sshll.u32 @!p0 s4, $0x6;
	s9 =	sshll.u32 @!p0 s9, $0x4  }
0x45: {  	s12 =	sshrl.u32 @!p0 s11, $0x3;
	s10 =	sor.u32 @!p0 $0x1C02, s10;
	s9 =	sadd.s32 @!p0 s20, s9  }
0x46: {  	[hbm:s9], [sflag:s10] =	dma.local @!p0 [spmem:s12], $0x3100  }
0x47: {  	s9 =	simm.s32 @!p0 $0x2  }
0x48: {  	_ =	swait.ge @!p0 [sflag:s9], $0x3100  }
0x49: {  	s7 =	sadd.s32 $0x1, s7;
	[sflag:s9] =	ssyncset.done @!p0 $0x0  }
0x4a: {  	[sflag:s9] =	ssyncadd.s32 @!p0 $0xFFFFCF00;
	p0 =	sne.s32 s7, $0x4  }
.Ltmp3:
0x4b: {  	_ = 	snop;
	(pc) =	sbr.rel @!p0 .LBB2_17-.Ltmp3, $2  }
0x4c: {  	_ =	sdelay $0x1  }
0x4d: {  	[bflag:$0x0] =	sbarrier.arrive $0xFFFF;
	_ =	sdelay $0x1  }
.LBB2_2:
0x4e: {  	s9 =	simm.s32 $0x0;
	s10 =	simm.s32 $0x200  }
.LBB2_3:
0x4f: {  	p0 =	sne.s32 s10, $0xFE00;
	[tilespmem:s9+$0x1A1F0] =	vst v1  }
0x50: {  	[tilespmem:s9+$0x1A180] =	vst v1  }
0x51: {  	[tilespmem:s9+$0x1A190] =	vst v1  }
.Ltmp4:
0x52: {  	[tilespmem:s9+$0x1A1A0] =	vst v1;
	(pc) =	sbr.rel @p0 .LBB2_3-.Ltmp4, $4  }
0x53: {  	[tilespmem:s9+$0x1A1B0] =	vst v1  }
0x54: {  	[tilespmem:s9+$0x1A1C0] =	vst v1  }
0x55: {  	[tilespmem:s9+$0x1A1D0] =	vst v1  }
0x56: {  	[tilespmem:s9+$0x1A1E0] =	vst v1;
	s9 =	sshra.s32 s10, $0x2;
	s10 =	sadd.s32 $0x200, s10  }
0x57: {  	[tilespmem:s9+$0x1A1F0] =	vst v1  }
0x58: {  	[tilespmem:s9+$0x1A180] =	vst v1  }
0x59: {  	[tilespmem:s9+$0x1A190] =	vst v1  }
0x5a: {  	[tilespmem:s9+$0x1A1A0] =	vst v1  }
0x5b: {  	[tilespmem:s9+$0x1A1B0] =	vst v1  }
0x5c: {  	[tilespmem:s9+$0x1A1C0] =	vst v1  }
0x5d: {  	[tilespmem:s9+$0x1A1D0] =	vst v1  }
0x5e: {  	[tilespmem:s9+$0x1A1E0] =	vst v1  }
0x5f: {  	[spmem:s11] =	stream.linear.scatter [tilespmem:s24], [sflag:$0x2], $0x3800, $0x38;
	[tilespmem:$0x1E180] =	vst v63  }
0x60: {  	_ =	swait.ge [sflag:s25], $0x3800  }
0x61: {  	[sflag:s25] =	ssyncset.done $0x0  }
0x62: {  	s12 =	rddreg [dreg:$0x9];
	[sflag:s25] =	ssyncadd.s32 $0xFFFFC800  }
0x63: {  	[spmem:s12] =	stream.linear.scatter [tilespmem:s24], [sflag:$0x2], $0x3800, $0x38;
	[tilespmem:$0x1E180] =	vst v63  }
0x64: {  	_ =	swait.ge [sflag:s25], $0x3800  }
0x65: {  	[sflag:s25] =	ssyncset.done $0x0  }
0x66: {  	s13 =	rddreg [dreg:$0xa];
	[sflag:s25] =	ssyncadd.s32 $0xFFFFC800  }
0x67: {  	[spmem:s13] =	stream.linear.scatter [tilespmem:s24], [sflag:$0x2], $0x3800, $0x38;
	[tilespmem:$0x1E180] =	vst v63  }
0x68: {  	_ =	swait.ge [sflag:s25], $0x3800  }
0x69: {  	[sflag:s25] =	ssyncset.done $0x0  }
0x6a: {  	s14 =	rddreg [dreg:$0xb];
	[sflag:s25] =	ssyncadd.s32 $0xFFFFC800  }
0x6b: {  	[spmem:s14] =	stream.linear.scatter [tilespmem:s24], [sflag:$0x2], $0x3800, $0x38;
	[tilespmem:$0x1E180] =	vst v63  }
0x6c: {  	_ =	swait.ge [sflag:s25], $0x3800  }
0x6d: {  	[sflag:s25] =	ssyncset.done $0x0  }
0x6e: {  	s15 =	rddreg [dreg:$0xc];
	[sflag:s25] =	ssyncadd.s32 $0xFFFFC800  }
0x6f: {  	[spmem:s15] =	stream.linear.scatter [tilespmem:s24], [sflag:$0x2], $0x3800, $0x38;
	[tilespmem:$0x1E180] =	vst v63  }
0x70: {  	_ =	swait.ge [sflag:s25], $0x3800  }
0x71: {  	[sflag:s25] =	ssyncset.done $0x0  }
0x72: {  	s16 =	rddreg [dreg:$0xd];
	[sflag:s25] =	ssyncadd.s32 $0xFFFFC800  }
0x73: {  	[spmem:s16] =	stream.linear.scatter [tilespmem:s24], [sflag:$0x2], $0x3800, $0x38;
	[tilespmem:$0x1E180] =	vst v63  }
0x74: {  	_ =	swait.ge [sflag:s25], $0x3800  }
0x75: {  	[sflag:s25] =	ssyncset.done $0x0;
	s10 =	rddreg [dreg:$0xe]  }
0x76: {  	s17 =	sshll.u32 s7, $0x1;
	s19 =	rddreg [dreg:$0x7];
	[sflag:s25] =	ssyncadd.s32 $0xFFFFC800  }
0x77: {  	[spmem:s10] =	stream.linear.scatter [tilespmem:s24], [sflag:$0x2], $0x3800, $0x38;
	[tilespmem:$0x1E180] =	vst v63  }
.Ltmp5:
0x78: {  	s10 =	sor.u32 s19, s17;
	_ =	swait.ge [sflag:s25], $0x3800;
	(pc) =	sbr.rel .LBB2_5-.Ltmp5, $4  }
0x79: {  	s9 =	smul.u32 $0x3100, s10;
	[sflag:s25] =	ssyncset.done $0x0  }
0x7a: {  	[sflag:s25] =	ssyncadd.s32 $0xFFFFC800  }
0x7b: {  	s12 =	sadd.s32 $0x3100, s9;
	[bflag:$0x0] =	sbarrier.arrive $0xFFFF  }
0x7c: {  	s13 =	simm.s32 $0x0;
	s15 =	simm.s32 $0x0;
	v2 =	vmov s9;
	v3 =	vmov s12;
	s12 =	simm.s32 $0x0  }
.LBB2_11:
0x7d: {  	s13 =	sadd.s32 $0x1, s13  }
0x7e: {  	p0 =	sne.s32 s13, $0x32  }
.Ltmp6:
0x7f: {  	_ = 	snop;
	(pc) =	sbr.rel @!p0 .LBB2_12-.Ltmp6, $1  }
0x80: {  	_ =	sdelay $0x3  }
.LBB2_5:
0x81: {  	s14 =	smul.u32 $0x7D0, s13;
	_ =	sdelay $0x1  }
0x82: {  	s14 =	sadd.s32 s18, s14  }
0x83: {  	s14 =	sshrl.u32 s14, $0x3  }
0x84: {  	s16 =	sadd.s32 s8, s14  }
0x85: {  	[tilespmem:s26], [sflag:$0x2] =	stream.linear.gather [hbm4b:s16+s12], $0x7D0, $0x38;
	[tilespmem:$0x1E180] =	vst v63  }
0x86: {  	_ =	swait.ge [sflag:s25], $0x7D0  }
0x87: {  	[sflag:s25] =	ssyncset.done $0x0  }
0x88: {  	s19 =	sadd.s32 s1, s14;
	[sflag:s25] =	ssyncadd.s32 $0xFFFFF830  }
0x89: {  	[tilespmem:s28], [sflag:$0x2] =	stream.linear.gather [hbm4b:s19+s12], $0x7D0, $0x38;
	[tilespmem:$0x1E180] =	vst v63  }
0x8a: {  	_ =	swait.ge [sflag:s25], $0x7D0  }
0x8b: {  	[sflag:s25] =	ssyncset.done $0x0  }
.Ltmp7:
0x8c: {  	s14 =	sadd.s32 s2, s14;
	[sflag:s25] =	ssyncadd.s32 $0xFFFFF830;
	(pc) =	sbr.rel .LBB2_6-.Ltmp7, $4  }
0x8d: {  	[tilespmem:s29], [sflag:$0x2] =	stream.linear.gather [hbm4b:s14+s12], $0x7D0, $0x38;
	[tilespmem:$0x1E180] =	vst v63  }
0x8e: {  	_ =	swait.ge [sflag:s25], $0x7D0  }
0x8f: {  	[sflag:s25] =	ssyncset.done $0x0  }
0x90: {  	s14 =	simm.s32 $0x0;
	[sflag:s25] =	ssyncadd.s32 $0xFFFFF830  }
.LBB2_10:
0x91: {  	s14 =	sadd.s32 $0x1, s14  }
0x92: {  	p0 =	sne.s32 s14, $0x7D  }
.Ltmp8:
0x93: {  	_ = 	snop;
	(pc) =	sbr.rel @!p0 .LBB2_11-.Ltmp8, $1  }
0x94: {  	_ =	sdelay $0x3  }
.LBB2_6:
0x95: {  	s16 =	sshll.u32 s14, $0x4  }
0x96: {  	v4 =	vld [tilespmem:s16+$0x18800];
	_ =	sdelay $0x4  }
0x97: {  	vm0 =	vge.s32 v4, v2;
	vm1 =	vlt.s32 v4, v3  }
0x98: {  	vm0 =	vmand vm0, vm1  }
0x99: {  	v5 =	vsel vm0, $0x1, v0  }
0x9a: {  	(xrf0) =	vadd.scan.msk.s32 $0xffff, v5;
	_ =	sdelay $0x5  }
0x9b: {  	v5, _, _ =	vpop (xrf0)  }
0x9c: {  	(v2sf) =	vpush v5, $0xF;
	_ =	sdelay $0x8  }
0x9d: {  	v5 =	vld [tilespmem:s16+$0x19000];
	_ =	sdelay $0x1  }
0x9e: {  	v6 =	vld [tilespmem:s16+$0x19800];
	_ =	sdelay $0x2  }
0x9f: {  	v4 =	vsub.s32 v4, v2;
	[tilespmem:s15+$0x1A000] =	vst.msk vm0, v5  }
0xa0: {  	[tilespmem:s15+$0x1A080] =	vst.msk vm0, v4;
	s19 =	spop (v2sf)  }
0xa1: {  	[tilespmem:s15+$0x1A100] =	vst.msk vm0, v6;
	s15 =	sadd.s32 s15, s19  }
0xa2: {  	p0 =	slt.s32 s15, $0x71  }
.Ltmp9:
0xa3: {  	_ = 	snop;
	(pc) =	sbr.rel @p0 .LBB2_10-.Ltmp9, $1  }
0xa4: {  	_ =	sdelay $0x3  }
0xa5: {  	[tilespmem:s24], [sflag:$0x1] =	stream.indirect.gather [hbm4b:s3+s30], $0x80, s31, s30, $0xb8;
	[tilespmem:$0x1E180] =	vst v63  }
0xa6: {  	s15 =	simm.s32 $0x0;
	_ =	swait.ge [sflag:s0], $0x4000  }
0xa7: {  	v4 =	vmov s15;
	[sflag:s0] =	ssyncset.done $0x0  }
0xa8: {  	s15 =	simm.s32 $0x1A1C0;
	[sflag:s0] =	ssyncadd.s32 $0xFFFFC000  }
0xa9: {  	v8 =	vld [tilespmem:s15+$0x30]  }
0xaa: {  	v11 =	vld [tilespmem:s15+$0x10]  }
0xab: {  	v9 =	vld [tilespmem:s15+$0xFFFFFFC0]  }
0xac: {  	v5 =	vld.idx.msk [tilespmem:v4+s23+$0x0], $0xffff  }
0xad: {  	v13 =	vld [tilespmem:s15+$0xFFFFFFE0]  }
0xae: {  	v6 =	vld [tilespmem:s15+$0x20]  }
0xaf: {  	v7 =	vld [tilespmem:s15+$0xFFFFFFD0]  }
0xb0: {  	v4 =	vld [tilespmem:s15+$0xFFFFFFF0]  }
0xb1: {  	v12 =	vmul.f32 v8, v5;
	v8 =	vld [tilespmem:s15+$0x0]  }
0xb2: {  	v10 =	vmul.f32 v9, v5  }
0xb3: {  	s16 =	simm.s32 $0x1;
	s17 =	simm.s32 $0x1A1C0;
	v9 =	vmul.f32 v13, v5;
	v11 =	vmul.f32 v11, v5  }
.LBB2_8:
0xb4: {  	p0 =	sne.s32 s16, $0x7F  }
0xb5: {  	v7 =	vmul.f32 v7, v5;
	v6 =	vmul.f32 v6, v5;
	[tilespmem:s15+$0x30] =	vst v12;
	s17 =	sadd.s32 $0x80, s17;
	s19 =	smov.u32 s16;
	s16 =	sadd.s32 $0x1, s16  }
0xb6: {  	[tilespmem:s15+$0xFFFFFFC0] =	vst v10;
	v10 =	vmul.f32 v4, v5;
	v5 =	vmul.f32 v8, v5  }
0xb7: {  	[tilespmem:s15+$0x10] =	vst v11  }
0xb8: {  	v8 =	vmov s19;
	[tilespmem:s15+$0xFFFFFFE0] =	vst v9  }
0xb9: {  	v4 =	vld [tilespmem:s17+$0xFFFFFFF0];
	[tilespmem:s15+$0xFFFFFFF0] =	vst v10  }
0xba: {  	v9 =	vld [tilespmem:s17+$0x30];
	[tilespmem:s15+$0x0] =	vst v5  }
0xbb: {  	v11 =	vld [tilespmem:s17+$0x10];
	[tilespmem:s15+$0x20] =	vst v6  }
0xbc: {  	v10 =	vld [tilespmem:s17+$0xFFFFFFC0];
	[tilespmem:s15+$0xFFFFFFD0] =	vst v7;
	s15 =	smov.u32 s17  }
0xbd: {  	v5 =	vld.idx.msk [tilespmem:v8+s23+$0x0], $0xffff  }
0xbe: {  	v13 =	vld [tilespmem:s17+$0xFFFFFFE0]  }
0xbf: {  	v6 =	vld [tilespmem:s17+$0x20]  }
.Ltmp10:
0xc0: {  	v7 =	vld [tilespmem:s17+$0xFFFFFFD0];
	(pc) =	sbr.rel @p0 .LBB2_8-.Ltmp10, $3  }
0xc1: {  	v8 =	vld [tilespmem:s17+$0x0];
	_ =	sdelay $0x1  }
0xc2: {  	v10 =	vmul.f32 v10, v5;
	v12 =	vmul.f32 v9, v5  }
0xc3: {  	v11 =	vmul.f32 v11, v5;
	v9 =	vmul.f32 v13, v5  }
0xc4: {  	[tilespmem:s15+$0x30] =	vst v12  }
0xc5: {  	[tilespmem:s15+$0xFFFFFFC0] =	vst v10  }
0xc6: {  	v4 =	vmul.f32 v4, v5;
	[tilespmem:s15+$0x10] =	vst v11  }
0xc7: {  	v6 =	vmul.f32 v6, v5;
	[tilespmem:s15+$0xFFFFFFE0] =	vst v9  }
0xc8: {  	v8 =	vmul.f32 v8, v5;
	[tilespmem:s15+$0xFFFFFFF0] =	vst v4  }
0xc9: {  	v4 =	vmul.f32 v7, v5;
	[tilespmem:s15+$0x20] =	vst v6  }
0xca: {  	[tilespmem:s15+$0x0] =	vst v8  }
0xcb: {  	[tilespmem:s15+$0xFFFFFFD0] =	vst v4  }
0xcc: {  	[spmem:s5] =	stream.indirect.scatter.add.f32 [tilespmem:s24], [sflag:$0x2], $0x80, s6, s30, $0xb8;
	[tilespmem:$0x1E180] =	vst v63  }
0xcd: {  	_ =	swait.ge [sflag:s25], $0x4000  }
0xce: {  	[sflag:s25] =	ssyncset.done $0x0  }
0xcf: {  	[sflag:s25] =	ssyncadd.s32 $0xFFFFC000  }
0xd0: {  	[tilespmem:$0x1A000] =	vst v0  }
0xd1: {  	[tilespmem:$0x1A080] =	vst v0  }
0xd2: {  	[tilespmem:$0x1A100] =	vst v1  }
0xd3: {  	[tilespmem:$0x1A010] =	vst v0  }
0xd4: {  	[tilespmem:$0x1A090] =	vst v0  }
0xd5: {  	[tilespmem:$0x1A110] =	vst v1  }
0xd6: {  	[tilespmem:$0x1A020] =	vst v0  }
0xd7: {  	[tilespmem:$0x1A0A0] =	vst v0  }
0xd8: {  	[tilespmem:$0x1A120] =	vst v1  }
0xd9: {  	[tilespmem:$0x1A030] =	vst v0  }
0xda: {  	[tilespmem:$0x1A0B0] =	vst v0  }
0xdb: {  	[tilespmem:$0x1A130] =	vst v1  }
0xdc: {  	[tilespmem:$0x1A040] =	vst v0  }
0xdd: {  	[tilespmem:$0x1A0C0] =	vst v0  }
0xde: {  	[tilespmem:$0x1A140] =	vst v1  }
0xdf: {  	[tilespmem:$0x1A050] =	vst v0  }
0xe0: {  	[tilespmem:$0x1A0D0] =	vst v0  }
0xe1: {  	[tilespmem:$0x1A150] =	vst v1  }
0xe2: {  	[tilespmem:$0x1A060] =	vst v0  }
.Ltmp11:
0xe3: {  	[tilespmem:$0x1A0E0] =	vst v0;
	(pc) =	sbr.rel .LBB2_10-.Ltmp11, $4  }
0xe4: {  	[tilespmem:$0x1A160] =	vst v1  }
0xe5: {  	[tilespmem:$0x1A070] =	vst v0  }
0xe6: {  	[tilespmem:$0x1A0F0] =	vst v0  }
0xe7: {  	s15 =	simm.s32 $0x0;
	[tilespmem:$0x1A170] =	vst v1  }
.LBB2_12:
0xe8: {  	p0 =	slt.s32 s15, $0x1  }
.Ltmp12:
0xe9: {  	_ = 	snop;
	(pc) =	sbr.rel @p0 .LBB2_16-.Ltmp12, $1  }
0xea: {  	_ =	sdelay $0x3  }
0xeb: {  	[tilespmem:s24], [sflag:$0x1] =	stream.indirect.gather [hbm4b:s3+s30], $0x80, s31, s30, $0xb8;
	[tilespmem:$0x1E180] =	vst v63  }
0xec: {  	s12 =	simm.s32 $0x0;
	_ =	swait.ge [sflag:s0], $0x4000  }
0xed: {  	v2 =	vmov s12;
	[sflag:s0] =	ssyncset.done $0x0  }
0xee: {  	s12 =	simm.s32 $0x1A1C0;
	[sflag:s0] =	ssyncadd.s32 $0xFFFFC000  }
0xef: {  	v6 =	vld [tilespmem:s12+$0x30]  }
0xf0: {  	v9 =	vld [tilespmem:s12+$0x10]  }
0xf1: {  	v7 =	vld [tilespmem:s12+$0xFFFFFFC0]  }
0xf2: {  	v3 =	vld.idx.msk [tilespmem:v2+s23+$0x0], $0xffff  }
0xf3: {  	v11 =	vld [tilespmem:s12+$0xFFFFFFE0]  }
0xf4: {  	v4 =	vld [tilespmem:s12+$0x20]  }
0xf5: {  	v5 =	vld [tilespmem:s12+$0xFFFFFFD0]  }
0xf6: {  	v2 =	vld [tilespmem:s12+$0xFFFFFFF0]  }
0xf7: {  	v10 =	vmul.f32 v6, v3;
	v6 =	vld [tilespmem:s12+$0x0]  }
0xf8: {  	v8 =	vmul.f32 v7, v3  }
0xf9: {  	s13 =	simm.s32 $0x1;
	s14 =	simm.s32 $0x1A1C0;
	v7 =	vmul.f32 v11, v3;
	v9 =	vmul.f32 v9, v3  }
.LBB2_14:
0xfa: {  	p0 =	sne.s32 s13, $0x7F  }
0xfb: {  	v5 =	vmul.f32 v5, v3;
	v4 =	vmul.f32 v4, v3;
	[tilespmem:s12+$0x30] =	vst v10;
	s14 =	sadd.s32 $0x80, s14;
	s15 =	smov.u32 s13;
	s13 =	sadd.s32 $0x1, s13  }
0xfc: {  	[tilespmem:s12+$0xFFFFFFC0] =	vst v8;
	v8 =	vmul.f32 v2, v3;
	v3 =	vmul.f32 v6, v3  }
0xfd: {  	[tilespmem:s12+$0x10] =	vst v9  }
0xfe: {  	v6 =	vmov s15;
	[tilespmem:s12+$0xFFFFFFE0] =	vst v7  }
0xff: {  	v2 =	vld [tilespmem:s14+$0xFFFFFFF0];
	[tilespmem:s12+$0xFFFFFFF0] =	vst v8  }
0x100: {  	v7 =	vld [tilespmem:s14+$0x30];
	[tilespmem:s12+$0x0] =	vst v3  }
0x101: {  	v9 =	vld [tilespmem:s14+$0x10];
	[tilespmem:s12+$0x20] =	vst v4  }
0x102: {  	v8 =	vld [tilespmem:s14+$0xFFFFFFC0];
	[tilespmem:s12+$0xFFFFFFD0] =	vst v5;
	s12 =	smov.u32 s14  }
0x103: {  	v3 =	vld.idx.msk [tilespmem:v6+s23+$0x0], $0xffff  }
0x104: {  	v11 =	vld [tilespmem:s14+$0xFFFFFFE0]  }
0x105: {  	v4 =	vld [tilespmem:s14+$0x20]  }
.Ltmp13:
0x106: {  	v5 =	vld [tilespmem:s14+$0xFFFFFFD0];
	(pc) =	sbr.rel @p0 .LBB2_14-.Ltmp13, $3  }
0x107: {  	v6 =	vld [tilespmem:s14+$0x0];
	_ =	sdelay $0x1  }
0x108: {  	v8 =	vmul.f32 v8, v3;
	v10 =	vmul.f32 v7, v3  }
0x109: {  	v9 =	vmul.f32 v9, v3;
	v7 =	vmul.f32 v11, v3  }
0x10a: {  	[tilespmem:s12+$0x30] =	vst v10  }
0x10b: {  	[tilespmem:s12+$0xFFFFFFC0] =	vst v8  }
0x10c: {  	v2 =	vmul.f32 v2, v3;
	[tilespmem:s12+$0x10] =	vst v9  }
0x10d: {  	v4 =	vmul.f32 v4, v3;
	[tilespmem:s12+$0xFFFFFFE0] =	vst v7  }
0x10e: {  	v6 =	vmul.f32 v6, v3;
	[tilespmem:s12+$0xFFFFFFF0] =	vst v2  }
0x10f: {  	v2 =	vmul.f32 v5, v3;
	[tilespmem:s12+$0x20] =	vst v4  }
0x110: {  	[tilespmem:s12+$0x0] =	vst v6  }
0x111: {  	[tilespmem:s12+$0xFFFFFFD0] =	vst v2  }
0x112: {  	[spmem:s5] =	stream.indirect.scatter.add.f32 [tilespmem:s24], [sflag:$0x2], $0x80, s6, s30, $0xb8;
	[tilespmem:$0x1E180] =	vst v63  }
0x113: {  	_ =	swait.ge [sflag:s25], $0x4000  }
0x114: {  	[sflag:s25] =	ssyncset.done $0x0  }
0x115: {  	[sflag:s25] =	ssyncadd.s32 $0xFFFFC000  }
0x116: {  	[tilespmem:$0x1A000] =	vst v0  }
0x117: {  	[tilespmem:$0x1A080] =	vst v0  }
0x118: {  	[tilespmem:$0x1A100] =	vst v1  }
0x119: {  	[tilespmem:$0x1A010] =	vst v0  }
0x11a: {  	[tilespmem:$0x1A090] =	vst v0  }
0x11b: {  	[tilespmem:$0x1A110] =	vst v1  }
0x11c: {  	[tilespmem:$0x1A020] =	vst v0  }
0x11d: {  	[tilespmem:$0x1A0A0] =	vst v0  }
0x11e: {  	[tilespmem:$0x1A120] =	vst v1  }
0x11f: {  	[tilespmem:$0x1A030] =	vst v0  }
0x120: {  	[tilespmem:$0x1A0B0] =	vst v0  }
0x121: {  	[tilespmem:$0x1A130] =	vst v1  }
0x122: {  	[tilespmem:$0x1A040] =	vst v0  }
0x123: {  	[tilespmem:$0x1A0C0] =	vst v0  }
0x124: {  	[tilespmem:$0x1A140] =	vst v1  }
0x125: {  	[tilespmem:$0x1A050] =	vst v0  }
0x126: {  	[tilespmem:$0x1A0D0] =	vst v0  }
0x127: {  	[tilespmem:$0x1A150] =	vst v1  }
0x128: {  	[tilespmem:$0x1A060] =	vst v0  }
.Ltmp14:
0x129: {  	[tilespmem:$0x1A0E0] =	vst v0;
	(pc) =	sbr.rel .LBB2_16-.Ltmp14, $4  }
0x12a: {  	[tilespmem:$0x1A160] =	vst v1  }
0x12b: {  	[tilespmem:$0x1A070] =	vst v0  }
0x12c: {  	[tilespmem:$0x1A0F0] =	vst v0  }
0x12d: {  	[tilespmem:$0x1A170] =	vst v1  }
.LBB2_18:
0x12e: {  	_ =	sfence.sel $0x180000  }
0x12f: {  	[bflag:$0x0] =	sbarrier.arrive $0xFFFF  }
0x130: {  	_ =	strace $0x90000047  }
0x131: {  	[bflag:$0x2] =	sbarrier.arrive $0xFFFF  }
0x132: {  	p0 =	sne.s32 s4, $0x0;
	s0 =	rddreg [dreg:$0x5]  }
0x133: {  	s0 =	sadd.s32 @!p0 $0x100000, s0  }
0x134: {  	[sflag:s0] =	ssyncadd.tile.s32 @!p0 $0x1;
	_ =	shalt  }
.Lfunc_end2:
_tile_overlayer_lowered:
.L_overlay_start_2:
0x135: {  	(tag) =	ssettag $0x2  }
0x136: {  	s0 =	rddreg [dreg:$0x0];
	s2 =	stileid.u32  }
0x137: {  	s1 =	rddreg [dreg:$0x1];
	p0 =	sne.s32 s2, $0x0  }
0x138: {  	s3 =	rddreg [dreg:$0x2];
	[bflag:$0x3] =	sbarrier.arrive $0xFFFF;
	s2 =	simm.s32 @!p0 $0x1C02  }
0x139: {  	[timem:s3], [sflag:s2] =	dma.local @!p0 [hbm:s0], s1  }
0x13a: {  	s0 =	simm.s32 @!p0 $0x2  }
0x13b: {  	_ =	swait.ge @!p0 [sflag:s0], s1  }
0x13c: {  	s1 =	ssub.s32 @!p0 $0x0, s1;
	[sflag:s0] =	ssyncset.done @!p0 $0x0  }
0x13d: {  	[sflag:s0] =	ssyncadd.s32 @!p0 s1  }
0x13e: {  	[bflag:$0x3] =	sbarrier.arrive $0xFFFF  }
0x13f: {  	_ =	shalt  }

</sc_bundles>
